<compile_context>
chip_gen: v7x
topology: tpu7x:2x2x1
jax: 0.10.2.dev20260603
libtpu: 0.0.44.dev20260713+nightly
codegen_flags: <defaults>
</compile_context>

<pallas_src>
import jax
import jax.numpy as jnp
from jax import lax
from jax.experimental import pallas as pl
from jax.experimental.pallas import tpu as pltpu
from jax.experimental.pallas import tpu_sc as plsc

N = 10000
E = 160000
D = 256
DH = D // 2
NTILES = 16
EPT = E // NTILES
CHUNK = 80
NCHUNK = 128
EPT_PAD = NCHUNK * CHUNK
NBUF = 4
TRASH = 112
AROWS = N + TRASH
Z_PT = AROWS // NTILES
ROWS_PT = 624
WB_TAIL = N - NTILES * ROWS_PT
DEGW = 128


def _sc_agg_body(feat_lo, feat_hi, src_h, dst_h, zf,
                 out_lo, out_hi,
                 srcb, dstb, rows_v, acc_s,
                 si0, si1, si2, si3, di0, di1, di2, di3,
                 g0, g1, g2, g3, s0, s1, s2, s3):
  cid = lax.axis_index("c")
  sid = lax.axis_index("s")
  sem_i = [si0, si1, si2, si3]
  sem_d = [di0, di1, di2, di3]
  sem_g = [g0, g1, g2, g3]
  sem_s = [s0, s1, s2, s3]

  z0 = pl.multiple_of(sid * Z_PT, 8)
  pltpu.sync_copy(zf, acc_s.at[pl.ds(z0, Z_PT)])

  plsc.subcore_barrier()

  def start_idx(j, b):
    pltpu.async_copy(src_h.at[sid, j], srcb.at[b], sem_i[b])
    pltpu.async_copy(dst_h.at[sid, j], dstb.at[b], sem_d[b])

  def wait_src(j, b):
    pltpu.make_async_copy(src_h.at[sid, j], srcb.at[b], sem_i[b]).wait()

  def wait_dst(j, b):
    pltpu.make_async_copy(dst_h.at[sid, j], dstb.at[b], sem_d[b]).wait()

  def start_gather(j, b):
    @pl.when(cid == 0)
    def _():
      pltpu.async_copy(feat_lo.at[srcb.at[b]], rows_v.at[b], sem_g[b])

    @pl.when(cid != 0)
    def _():
      pltpu.async_copy(feat_hi.at[srcb.at[b]], rows_v.at[b], sem_g[b])

  def wait_gather(j, b):
    @pl.when(cid == 0)
    def _():
      pltpu.make_async_copy(feat_lo.at[srcb.at[b]], rows_v.at[b],
                            sem_g[b]).wait()

    @pl.when(cid != 0)
    def _():
      pltpu.make_async_copy(feat_hi.at[srcb.at[b]], rows_v.at[b],
                            sem_g[b]).wait()

  def start_scatter(j, b):
    pltpu.async_copy(rows_v.at[b], acc_s.at[dstb.at[b]], sem_s[b], add=True)

  def wait_scatter(j, b):
    pltpu.make_async_copy(rows_v.at[b], acc_s.at[dstb.at[b]],
                          sem_s[b]).wait()

  start_idx(0, 0)
  start_idx(1, 1)
  wait_src(0, 0)
  start_gather(0, 0)

  def step(j, b):
    b1 = (b + 1) % NBUF
    b2 = (b + 2) % NBUF

    @pl.when(j >= 2)
    def _():
      wait_scatter(j - 2, b2)

    @pl.when(j + 2 < NCHUNK)
    def _():
      start_idx(j + 2, b2)

    @pl.when(j + 1 < NCHUNK)
    def _():
      wait_src(j + 1, b1)
      start_gather(j + 1, b1)

    wait_gather(j, b)
    wait_dst(j, b)
    start_scatter(j, b)

  def outer(g, carry):
    for b in range(NBUF):
      step(g * NBUF + b, b)
    return carry

  lax.fori_loop(0, NCHUNK // NBUF, outer, 0)
  wait_scatter(NCHUNK - 2, (NCHUNK - 2) % NBUF)
  wait_scatter(NCHUNK - 1, (NCHUNK - 1) % NBUF)

  plsc.subcore_barrier()

  r0 = pl.multiple_of(sid * ROWS_PT, 8)
  t0 = NTILES * ROWS_PT
  last = sid == NTILES - 1

  @pl.when(cid == 0)
  def _():
    pltpu.sync_copy(acc_s.at[pl.ds(r0, ROWS_PT)],
                    out_lo.at[pl.ds(r0, ROWS_PT)])

    @pl.when(last)
    def _():
      pltpu.sync_copy(acc_s.at[pl.ds(t0, WB_TAIL)],
                      out_lo.at[pl.ds(t0, WB_TAIL)])

  @pl.when(cid != 0)
  def _():
    pltpu.sync_copy(acc_s.at[pl.ds(r0, ROWS_PT)],
                    out_hi.at[pl.ds(r0, ROWS_PT)])

    @pl.when(last)
    def _():
      pltpu.sync_copy(acc_s.at[pl.ds(t0, WB_TAIL)],
                      out_hi.at[pl.ds(t0, WB_TAIL)])


_sc_agg = pl.kernel(
    _sc_agg_body,
    out_type=(
        jax.ShapeDtypeStruct((N, DH), jnp.float32),
        jax.ShapeDtypeStruct((N, DH), jnp.float32),
    ),
    mesh=plsc.VectorSubcoreMesh(core_axis_name="c", subcore_axis_name="s"),
    scratch_types=[
        pltpu.VMEM((NBUF, CHUNK), jnp.int32),
        pltpu.VMEM((NBUF, CHUNK), jnp.int32),
        pltpu.VMEM((NBUF, CHUNK, DH), jnp.float32),
        pltpu.VMEM_SHARED((AROWS, DH), jnp.float32),
    ] + [pltpu.SemaphoreType.DMA] * 16,
    name="sage_sc_agg",
)


def _sc_deg_body(dst_h, zd, ones_h, deg0_out, deg1_out, dst_v, ones_v, deg_s):
  cid = lax.axis_index("c")
  sid = lax.axis_index("s")

  pltpu.sync_copy(dst_h.at[sid], dst_v)
  pltpu.sync_copy(ones_h, ones_v)

  z0 = pl.multiple_of(sid * Z_PT, 8)
  pltpu.sync_copy(zd, deg_s.at[pl.ds(z0, Z_PT)])

  plsc.subcore_barrier()

  half = NCHUNK // 2
  base = cid * half

  def body(j, carry):
    pltpu.sync_copy(ones_v, deg_s.at[dst_v.at[base + j]], add=True)
    return carry

  lax.fori_loop(0, half, body, 0)

  plsc.subcore_barrier()

  r0 = pl.multiple_of(sid * ROWS_PT, 8)
  t0 = NTILES * ROWS_PT
  last = sid == NTILES - 1

  @pl.when(cid == 0)
  def _():
    pltpu.sync_copy(deg_s.at[pl.ds(r0, ROWS_PT)],
                    deg0_out.at[pl.ds(r0, ROWS_PT)])

    @pl.when(last)
    def _():
      pltpu.sync_copy(deg_s.at[pl.ds(t0, WB_TAIL)],
                      deg0_out.at[pl.ds(t0, WB_TAIL)])

  @pl.when(cid != 0)
  def _():
    pltpu.sync_copy(deg_s.at[pl.ds(r0, ROWS_PT)],
                    deg1_out.at[pl.ds(r0, ROWS_PT)])

    @pl.when(last)
    def _():
      pltpu.sync_copy(deg_s.at[pl.ds(t0, WB_TAIL)],
                      deg1_out.at[pl.ds(t0, WB_TAIL)])


_sc_deg = pl.kernel(
    _sc_deg_body,
    out_type=(jax.ShapeDtypeStruct((N, DEGW), jnp.float32),
              jax.ShapeDtypeStruct((N, DEGW), jnp.float32)),
    mesh=plsc.VectorSubcoreMesh(core_axis_name="c", subcore_axis_name="s"),
    scratch_types=[
        pltpu.VMEM((NCHUNK, CHUNK), jnp.int32),
        pltpu.VMEM((CHUNK, DEGW), jnp.float32),
        pltpu.VMEM_SHARED((AROWS, DEGW), jnp.float32),
    ],
    name="sage_sc_deg",
)


RB = 1000


def _self_body(x_ref, wsT_ref, bias_ref, o_ref):
  o_ref[...] = jnp.dot(
      x_ref[...], wsT_ref[...], preferred_element_type=jnp.float32,
      precision=jax.lax.Precision.HIGHEST) + bias_ref[...]


def _self_mm(feat, wsT, bias):
  return pl.pallas_call(
      _self_body,
      grid=(N // RB,),
      in_specs=[
          pl.BlockSpec((RB, D), lambda i: (i, 0)),
          pl.BlockSpec((D, D), lambda i: (0, 0)),
          pl.BlockSpec((1, D), lambda i: (0, 0)),
      ],
      out_specs=pl.BlockSpec((RB, D), lambda i: (i, 0)),
      out_shape=jax.ShapeDtypeStruct((N, D), jnp.float32),
  )(feat, wsT, bias)


def _dense_body(s_ref, alo_ref, ahi_ref, deg0_ref, deg1_ref,
                wnT_ref, o_ref):
  d = deg0_ref[...][:, 0:1] + deg1_ref[...][:, 0:1]
  r = 1.0 / jnp.maximum(d, 1.0)
  h = jnp.concatenate([alo_ref[...], ahi_ref[...]], axis=1) * r
  o_ref[...] = s_ref[...] + jnp.dot(
      h, wnT_ref[...], preferred_element_type=jnp.float32,
      precision=jax.lax.Precision.HIGHEST)


def _dense(selfmm, alo, ahi, deg0, deg1, wnT):
  grid = (N // RB,)
  return pl.pallas_call(
      _dense_body,
      grid=grid,
      in_specs=[
          pl.BlockSpec((RB, D), lambda i: (i, 0)),
          pl.BlockSpec((RB, DH), lambda i: (i, 0)),
          pl.BlockSpec((RB, DH), lambda i: (i, 0)),
          pl.BlockSpec((RB, DEGW), lambda i: (i, 0)),
          pl.BlockSpec((RB, DEGW), lambda i: (i, 0)),
          pl.BlockSpec((D, D), lambda i: (0, 0)),
      ],
      out_specs=pl.BlockSpec((RB, D), lambda i: (i, 0)),
      out_shape=jax.ShapeDtypeStruct((N, D), jnp.float32),
  )(selfmm, alo, ahi, deg0, deg1, wnT)


def kernel(feat, edge_index, W_self, b_self, W_neigh, b_neigh):
  pad = EPT_PAD - EPT
  src = edge_index[0].astype(jnp.int32).reshape(NTILES, EPT)
  dst = edge_index[1].astype(jnp.int32).reshape(NTILES, EPT)
  src = jnp.pad(src, ((0, 0), (0, pad))).reshape(NTILES, NCHUNK, CHUNK)
  dst = jnp.pad(dst, ((0, 0), (0, pad)),
                constant_values=N).reshape(NTILES, NCHUNK, CHUNK)
  feat_lo = feat[:, :DH]
  feat_hi = feat[:, DH:]
  zf = jnp.zeros((Z_PT, DH), jnp.float32)
  zd = jnp.zeros((Z_PT, DEGW), jnp.float32)
  ones_h = jnp.ones((CHUNK, DEGW), jnp.float32)

  wsT = W_self.T
  wnT = W_neigh.T
  bias = (b_self + b_neigh).reshape(1, D)

  selfmm = _self_mm(feat, wsT, bias)
  alo, ahi = _sc_agg(feat_lo, feat_hi, src, dst, zf)
  deg0, deg1 = _sc_deg(dst, zd, ones_h)
  return _dense(selfmm, alo, ahi, deg0, deg1, wnT)

# --- scband reference (transcript-rebuilt; emitter-appended) ---
"""Pipeline reference for scband-sageconv-1211180778048 (READ-ONLY COPY).

The authoritative reference and input builder live on the scoring server;
editing this copy changes nothing except your own understanding.
"""

import jax, jax.numpy as jnp
import numpy as np

N_NODES = 10000
N_EDGES = 160000
D_IN = 256
D_OUT = 256

def setup_inputs(seed: int = 0) -> dict:
    key = jax.random.key(seed)
    k1, k2, k3, k4, k5 = jax.random.split(key, 5)
    feat = jax.random.normal(k1, (N_NODES, D_IN), dtype=jnp.float32)
    edge_index = jax.random.randint(k2, (2, N_EDGES), 0, N_NODES, dtype=jnp.int64)
    # xavier_uniform with relu gain for weights
    gain = float(np.sqrt(2.0))
    bound = gain * float(np.sqrt(6.0 / (D_IN + D_OUT)))
    W_self = jax.random.uniform(k3, (D_OUT, D_IN), dtype=jnp.float32, minval=-bound, maxval=bound)
    W_neigh = jax.random.uniform(k4, (D_OUT, D_IN), dtype=jnp.float32, minval=-bound, maxval=bound)
    b_self = jnp.zeros((D_OUT,), dtype=jnp.float32)
    b_neigh = jnp.zeros((D_OUT,), dtype=jnp.float32)
    return {"feat": feat, "edge_index": edge_index, "W_self": W_self, "b_self": b_self, "W_neigh": W_neigh, "b_neigh": b_neigh}

def reference(feat, edge_index, W_self, b_self, W_neigh, b_neigh):
    # SAGEConv with 'mean' aggregator, feat_drop=0 (identity), no activation/norm,
    # apply_gather=False so feat_src == feat_dst == feat.
    src = edge_index[0]
    dst = edge_index[1]
    # message passing: copy_u then mean over incoming edges per dst node
    msg = jnp.take(feat, src, axis=0)                      # gather [E, D_IN]
    neigh_sum = jax.ops.segment_sum(msg, dst, num_segments=N_NODES)
    deg = jax.ops.segment_sum(jnp.ones((N_EDGES,), dtype=feat.dtype), dst, num_segments=N_NODES)
    # DGL mean gives 0 for zero-degree nodes (sum is 0); guard divide
    h_neigh = neigh_sum / jnp.maximum(deg, 1.0)[:, None]
    h_self = feat
    rst = h_self @ W_self.T + b_self + h_neigh @ W_neigh.T + b_neigh
    return rst

if __name__ == "__main__":
    import jax
    _d = setup_inputs()
    print(jax.jit(kernel)(*tuple(_d.values())))

</pallas_src>

<mosaic_0001>
#map = affine_map<(d0, d1) -> (0, 0, 0)>
#map1 = affine_map<(d0, d1) -> (0, 0)>
module attributes {stable_mosaic.version = 14 : i64} {
  func.func @sage_sc_deg(%arg0: i32, %arg1: i32, %arg2: memref<16x128x80xi32, #tpu.memory_space<hbm>>, %arg3: memref<632x128xf32, #tpu.memory_space<hbm>>, %arg4: memref<80x128xf32, #tpu.memory_space<hbm>>, %arg5: memref<10000x128xf32, #tpu.memory_space<hbm>>, %arg6: memref<10000x128xf32, #tpu.memory_space<hbm>>, %arg7: memref<128x80xi32, #tpu.memory_space<vmem>>, %arg8: memref<80x128xf32, #tpu.memory_space<vmem>>, %arg9: memref<10112x128xf32, #tpu.memory_space<vmem_shared>>) attributes {dimension_semantics = [#tpu.dimension_semantics<core_parallel>, #tpu.dimension_semantics<subcore_parallel>], iteration_bounds = array<i64: 2, 16>, scalar_prefetch = 0 : i64, scratch_operands = 3 : i64, tpu.core_type = #tpu.core_type<sc_vector_subcore>, window_params = [{transform_indices = #map}, {transform_indices = #map1}, {transform_indices = #map1}, {transform_indices = #map1}, {transform_indices = #map1}]} {
    "tpu.region"() ({
      %run_scoped3A = tpu.sem_alloc : memref<!tpu.dma_semaphore, #tpu.memory_space<semaphore_mem>>
      %dma_start3A = arith.constant 0 : i32
      %dma_start3A_20 = arith.constant 0 : i32
      %dma_start3A_21 = tpu.memref_slice %arg2[%arg1, %dma_start3A, %dma_start3A_20] : memref<16x128x80xi32, #tpu.memory_space<hbm>> -> memref<1x128x80xi32, #tpu.memory_space<hbm>>
      %dma_start3A_22 = tpu.memref_squeeze %dma_start3A_21 : memref<1x128x80xi32, #tpu.memory_space<hbm>> -> memref<128x80xi32, #tpu.memory_space<hbm>>
      %dma_start3A_23 = arith.constant 0 : i32
      %dma_start3A_24 = arith.constant 0 : i32
      %dma_start3A_25 = tpu.memref_slice %arg2[%arg1, %dma_start3A_23, %dma_start3A_24] : memref<16x128x80xi32, #tpu.memory_space<hbm>> -> memref<1x128x80xi32, #tpu.memory_space<hbm>>
      %dma_start3A_26 = tpu.memref_squeeze %dma_start3A_25 : memref<1x128x80xi32, #tpu.memory_space<hbm>> -> memref<128x80xi32, #tpu.memory_space<hbm>>
      tpu.enqueue_dma source(%dma_start3A_26 : memref<128x80xi32, #tpu.memory_space<hbm>>) target(%arg7 : memref<128x80xi32, #tpu.memory_space<vmem>>) target_semaphore(%run_scoped3A : memref<!tpu.dma_semaphore, #tpu.memory_space<semaphore_mem>>)
      %dma_wait3A = arith.constant 0 : i32
      %dma_wait3A_27 = arith.constant 0 : i32
      %dma_wait3A_28 = tpu.memref_slice %arg2[%arg1, %dma_wait3A, %dma_wait3A_27] : memref<16x128x80xi32, #tpu.memory_space<hbm>> -> memref<1x128x80xi32, #tpu.memory_space<hbm>>
      %dma_wait3A_29 = tpu.memref_squeeze %dma_wait3A_28 : memref<1x128x80xi32, #tpu.memory_space<hbm>> -> memref<128x80xi32, #tpu.memory_space<hbm>>
      %dma_wait3A_30 = arith.constant 0 : i32
      %dma_wait3A_31 = arith.constant 0 : i32
      %dma_wait3A_32 = tpu.memref_slice %arg2[%arg1, %dma_wait3A_30, %dma_wait3A_31] : memref<16x128x80xi32, #tpu.memory_space<hbm>> -> memref<1x128x80xi32, #tpu.memory_space<hbm>>
      %dma_wait3A_33 = tpu.memref_squeeze %dma_wait3A_32 : memref<1x128x80xi32, #tpu.memory_space<hbm>> -> memref<128x80xi32, #tpu.memory_space<hbm>>
      tpu.wait_dma2 semaphore(%run_scoped3A : memref<!tpu.dma_semaphore, #tpu.memory_space<semaphore_mem>>) src(%dma_wait3A_33 : memref<128x80xi32, #tpu.memory_space<hbm>>) dst(%arg7 : memref<128x80xi32, #tpu.memory_space<vmem>>)
      tpu.yield
    }) : () -> ()
    "tpu.region"() ({
      %run_scoped3A = tpu.sem_alloc : memref<!tpu.dma_semaphore, #tpu.memory_space<semaphore_mem>>
      tpu.enqueue_dma source(%arg4 : memref<80x128xf32, #tpu.memory_space<hbm>>) target(%arg8 : memref<80x128xf32, #tpu.memory_space<vmem>>) target_semaphore(%run_scoped3A : memref<!tpu.dma_semaphore, #tpu.memory_space<semaphore_mem>>)
      tpu.wait_dma2 semaphore(%run_scoped3A : memref<!tpu.dma_semaphore, #tpu.memory_space<semaphore_mem>>) src(%arg4 : memref<80x128xf32, #tpu.memory_space<hbm>>) dst(%arg8 : memref<80x128xf32, #tpu.memory_space<vmem>>)
      tpu.yield
    }) : () -> ()
    %mul3A = arith.constant 632 : i32
    %mul3A_0 = arith.muli %arg1, %mul3A : i32
    %multiple_of3A = tpu.assume_multiple %mul3A_0, 8 : i32
    "tpu.region"() ({
      %run_scoped3A = tpu.sem_alloc : memref<!tpu.dma_semaphore, #tpu.memory_space<semaphore_mem>>
      %dma_start3A = arith.constant 0 : i32
      %dma_start3A_20 = tpu.memref_slice %arg9[%multiple_of3A, %dma_start3A] : memref<10112x128xf32, #tpu.memory_space<vmem_shared>> -> memref<632x128xf32, #tpu.memory_space<vmem_shared>>
      tpu.enqueue_dma source(%arg3 : memref<632x128xf32, #tpu.memory_space<hbm>>) target(%dma_start3A_20 : memref<632x128xf32, #tpu.memory_space<vmem_shared>>) target_semaphore(%run_scoped3A : memref<!tpu.dma_semaphore, #tpu.memory_space<semaphore_mem>>)
      %dma_wait3A = arith.constant 0 : i32
      %dma_wait3A_21 = tpu.memref_slice %arg9[%multiple_of3A, %dma_wait3A] : memref<10112x128xf32, #tpu.memory_space<vmem_shared>> -> memref<632x128xf32, #tpu.memory_space<vmem_shared>>
      tpu.wait_dma2 semaphore(%run_scoped3A : memref<!tpu.dma_semaphore, #tpu.memory_space<semaphore_mem>>) src(%arg3 : memref<632x128xf32, #tpu.memory_space<hbm>>) dst(%dma_wait3A_21 : memref<632x128xf32, #tpu.memory_space<vmem_shared>>)
      tpu.yield
    }) : () -> ()
    %barrier3A = arith.constant 0 : index
    tpu.barrier barrier_id(%barrier3A)
    %mul3A_1 = arith.constant 64 : i32
    %mul3A_2 = arith.muli %arg0, %mul3A_1 : i32
    %scan3A = arith.constant 0 : i32
    %scan3A_3 = arith.constant 0 : i32
    %scan3A_4 = arith.constant 64 : i32
    %scan3A_5 = arith.addi %scan3A_3, %scan3A_4 : i32
    %scan3A_6 = arith.constant 1 : i32
    scf.for %scan3A_20 = %scan3A_3 to %scan3A_5 step %scan3A_6  : i32 {
      %add3A = arith.addi %mul3A_2, %scan3A_20 : i32
      "tpu.region"() ({
        %run_scoped3A = tpu.sem_alloc : memref<!tpu.dma_semaphore, #tpu.memory_space<semaphore_mem>>
        %dma_start3A = arith.constant 0 : i32
        %dma_start3A_21 = tpu.memref_slice %arg7[%add3A, %dma_start3A] : memref<128x80xi32, #tpu.memory_space<vmem>> -> memref<1x80xi32, #tpu.memory_space<vmem>>
        %dma_start3A_22 = tpu.memref_squeeze %dma_start3A_21 : memref<1x80xi32, #tpu.memory_space<vmem>> -> memref<80xi32, #tpu.memory_space<vmem>>
        %dma_start3A_23 = arith.constant 0 : i32
        %dma_start3A_24 = arith.constant 0 : i32
        %dma_start3A_25 = tpu.memref_slice %arg9[%dma_start3A_23, %dma_start3A_24] : memref<10112x128xf32, #tpu.memory_space<vmem_shared>> -> memref<10112x128xf32, #tpu.memory_space<vmem_shared>>
        tpu.enqueue_indirect_dma source(%arg8 : memref<80x128xf32, #tpu.memory_space<vmem>>) target(%dma_start3A_25 : memref<10112x128xf32, #tpu.memory_space<vmem_shared>>) offsets(%dma_start3A_22 : memref<80xi32, #tpu.memory_space<vmem>>) semaphore(%run_scoped3A : memref<!tpu.dma_semaphore, #tpu.memory_space<semaphore_mem>>) {add = true}
        %dma_wait3A = arith.constant 0 : i32
        %dma_wait3A_26 = tpu.memref_slice %arg7[%add3A, %dma_wait3A] : memref<128x80xi32, #tpu.memory_space<vmem>> -> memref<1x80xi32, #tpu.memory_space<vmem>>
        %dma_wait3A_27 = tpu.memref_squeeze %dma_wait3A_26 : memref<1x80xi32, #tpu.memory_space<vmem>> -> memref<80xi32, #tpu.memory_space<vmem>>
        %dma_wait3A_28 = arith.constant 0 : i32
        %dma_wait3A_29 = arith.constant 0 : i32
        %dma_wait3A_30 = tpu.memref_slice %arg9[%dma_wait3A_28, %dma_wait3A_29] : memref<10112x128xf32, #tpu.memory_space<vmem_shared>> -> memref<10112x128xf32, #tpu.memory_space<vmem_shared>>
        tpu.wait_indirect_dma semaphore(%run_scoped3A : memref<!tpu.dma_semaphore, #tpu.memory_space<semaphore_mem>>) src(%arg8 : memref<80x128xf32, #tpu.memory_space<vmem>>) dst(%dma_wait3A_30 : memref<10112x128xf32, #tpu.memory_space<vmem_shared>>)
        tpu.yield
      }) : () -> ()
    }
    %scan3A_7 = arith.constant 64 : i32
    %barrier3A_8 = arith.constant 0 : index
    tpu.barrier barrier_id(%barrier3A_8)
    %mul3A_9 = arith.constant 624 : i32
    %mul3A_10 = arith.muli %arg1, %mul3A_9 : i32
    %multiple_of3A_11 = tpu.assume_multiple %mul3A_10, 8 : i32
    %eq3A = arith.constant 15 : i32
    %eq3A_12 = arith.cmpi eq, %arg1, %eq3A : i32
    %eq3A_13 = arith.constant 0 : i32
    %eq3A_14 = arith.cmpi eq, %arg0, %eq3A_13 : i32
    %convert_element_type3A = arith.extui %eq3A_14 : i1 to i32
    %cond3A = arith.constant 0 : i32
    %cond3A_15 = arith.cmpi ne, %convert_element_type3A, %cond3A : i32
    scf.if %cond3A_15 {
      "tpu.region"() ({
        %run_scoped3A = tpu.sem_alloc : memref<!tpu.dma_semaphore, #tpu.memory_space<semaphore_mem>>
        %dma_start3A = arith.constant 0 : i32
        %dma_start3A_23 = tpu.memref_slice %arg5[%multiple_of3A_11, %dma_start3A] : memref<10000x128xf32, #tpu.memory_space<hbm>> -> memref<624x128xf32, #tpu.memory_space<hbm>>
        %dma_start3A_24 = arith.constant 0 : i32
        %dma_start3A_25 = tpu.memref_slice %arg9[%multiple_of3A_11, %dma_start3A_24] : memref<10112x128xf32, #tpu.memory_space<vmem_shared>> -> memref<624x128xf32, #tpu.memory_space<vmem_shared>>
        tpu.enqueue_dma source(%dma_start3A_25 : memref<624x128xf32, #tpu.memory_space<vmem_shared>>) target(%dma_start3A_23 : memref<624x128xf32, #tpu.memory_space<hbm>>) target_semaphore(%run_scoped3A : memref<!tpu.dma_semaphore, #tpu.memory_space<semaphore_mem>>)
        %dma_wait3A = arith.constant 0 : i32
        %dma_wait3A_26 = tpu.memref_slice %arg5[%multiple_of3A_11, %dma_wait3A] : memref<10000x128xf32, #tpu.memory_space<hbm>> -> memref<624x128xf32, #tpu.memory_space<hbm>>
        %dma_wait3A_27 = arith.constant 0 : i32
        %dma_wait3A_28 = tpu.memref_slice %arg9[%multiple_of3A_11, %dma_wait3A_27] : memref<10112x128xf32, #tpu.memory_space<vmem_shared>> -> memref<624x128xf32, #tpu.memory_space<vmem_shared>>
        tpu.wait_dma2 semaphore(%run_scoped3A : memref<!tpu.dma_semaphore, #tpu.memory_space<semaphore_mem>>) src(%dma_wait3A_28 : memref<624x128xf32, #tpu.memory_space<vmem_shared>>) dst(%dma_wait3A_26 : memref<624x128xf32, #tpu.memory_space<hbm>>)
        tpu.yield
      }) : () -> ()
      %convert_element_type3A_20 = arith.extui %eq3A_12 : i1 to i32
      %cond3A_21 = arith.constant 0 : i32
      %cond3A_22 = arith.cmpi ne, %convert_element_type3A_20, %cond3A_21 : i32
      scf.if %cond3A_22 {
        "tpu.region"() ({
          %run_scoped3A = tpu.sem_alloc : memref<!tpu.dma_semaphore, #tpu.memory_space<semaphore_mem>>
          %dma_start3A = arith.constant 9984 : i32
          %dma_start3A_23 = arith.constant 0 : i32
          %dma_start3A_24 = tpu.memref_slice %arg5[%dma_start3A, %dma_start3A_23] : memref<10000x128xf32, #tpu.memory_space<hbm>> -> memref<16x128xf32, #tpu.memory_space<hbm>>
          %dma_start3A_25 = arith.constant 9984 : i32
          %dma_start3A_26 = arith.constant 0 : i32
          %dma_start3A_27 = tpu.memref_slice %arg9[%dma_start3A_25, %dma_start3A_26] : memref<10112x128xf32, #tpu.memory_space<vmem_shared>> -> memref<16x128xf32, #tpu.memory_space<vmem_shared>>
          tpu.enqueue_dma source(%dma_start3A_27 : memref<16x128xf32, #tpu.memory_space<vmem_shared>>) target(%dma_start3A_24 : memref<16x128xf32, #tpu.memory_space<hbm>>) target_semaphore(%run_scoped3A : memref<!tpu.dma_semaphore, #tpu.memory_space<semaphore_mem>>)
          %dma_wait3A = arith.constant 9984 : i32
          %dma_wait3A_28 = arith.constant 0 : i32
          %dma_wait3A_29 = tpu.memref_slice %arg5[%dma_wait3A, %dma_wait3A_28] : memref<10000x128xf32, #tpu.memory_space<hbm>> -> memref<16x128xf32, #tpu.memory_space<hbm>>
          %dma_wait3A_30 = arith.constant 9984 : i32
          %dma_wait3A_31 = arith.constant 0 : i32
          %dma_wait3A_32 = tpu.memref_slice %arg9[%dma_wait3A_30, %dma_wait3A_31] : memref<10112x128xf32, #tpu.memory_space<vmem_shared>> -> memref<16x128xf32, #tpu.memory_space<vmem_shared>>
          tpu.wait_dma2 semaphore(%run_scoped3A : memref<!tpu.dma_semaphore, #tpu.memory_space<semaphore_mem>>) src(%dma_wait3A_32 : memref<16x128xf32, #tpu.memory_space<vmem_shared>>) dst(%dma_wait3A_29 : memref<16x128xf32, #tpu.memory_space<hbm>>)
          tpu.yield
        }) : () -> ()
      } else {
      }
    } else {
    }
    %ne3A = arith.constant 0 : i32
    %ne3A_16 = arith.cmpi ne, %arg0, %ne3A : i32
    %convert_element_type3A_17 = arith.extui %ne3A_16 : i1 to i32
    %cond3A_18 = arith.constant 0 : i32
    %cond3A_19 = arith.cmpi ne, %convert_element_type3A_17, %cond3A_18 : i32
    scf.if %cond3A_19 {
      "tpu.region"() ({
        %run_scoped3A = tpu.sem_alloc : memref<!tpu.dma_semaphore, #tpu.memory_space<semaphore_mem>>
        %dma_start3A = arith.constant 0 : i32
        %dma_start3A_23 = tpu.memref_slice %arg6[%multiple_of3A_11, %dma_start3A] : memref<10000x128xf32, #tpu.memory_space<hbm>> -> memref<624x128xf32, #tpu.memory_space<hbm>>
        %dma_start3A_24 = arith.constant 0 : i32
        %dma_start3A_25 = tpu.memref_slice %arg9[%multiple_of3A_11, %dma_start3A_24] : memref<10112x128xf32, #tpu.memory_space<vmem_shared>> -> memref<624x128xf32, #tpu.memory_space<vmem_shared>>
        tpu.enqueue_dma source(%dma_start3A_25 : memref<624x128xf32, #tpu.memory_space<vmem_shared>>) target(%dma_start3A_23 : memref<624x128xf32, #tpu.memory_space<hbm>>) target_semaphore(%run_scoped3A : memref<!tpu.dma_semaphore, #tpu.memory_space<semaphore_mem>>)
        %dma_wait3A = arith.constant 0 : i32
        %dma_wait3A_26 = tpu.memref_slice %arg6[%multiple_of3A_11, %dma_wait3A] : memref<10000x128xf32, #tpu.memory_space<hbm>> -> memref<624x128xf32, #tpu.memory_space<hbm>>
        %dma_wait3A_27 = arith.constant 0 : i32
        %dma_wait3A_28 = tpu.memref_slice %arg9[%multiple_of3A_11, %dma_wait3A_27] : memref<10112x128xf32, #tpu.memory_space<vmem_shared>> -> memref<624x128xf32, #tpu.memory_space<vmem_shared>>
        tpu.wait_dma2 semaphore(%run_scoped3A : memref<!tpu.dma_semaphore, #tpu.memory_space<semaphore_mem>>) src(%dma_wait3A_28 : memref<624x128xf32, #tpu.memory_space<vmem_shared>>) dst(%dma_wait3A_26 : memref<624x128xf32, #tpu.memory_space<hbm>>)
        tpu.yield
      }) : () -> ()
      %convert_element_type3A_20 = arith.extui %eq3A_12 : i1 to i32
      %cond3A_21 = arith.constant 0 : i32
      %cond3A_22 = arith.cmpi ne, %convert_element_type3A_20, %cond3A_21 : i32
      scf.if %cond3A_22 {
        "tpu.region"() ({
          %run_scoped3A = tpu.sem_alloc : memref<!tpu.dma_semaphore, #tpu.memory_space<semaphore_mem>>
          %dma_start3A = arith.constant 9984 : i32
          %dma_start3A_23 = arith.constant 0 : i32
          %dma_start3A_24 = tpu.memref_slice %arg6[%dma_start3A, %dma_start3A_23] : memref<10000x128xf32, #tpu.memory_space<hbm>> -> memref<16x128xf32, #tpu.memory_space<hbm>>
          %dma_start3A_25 = arith.constant 9984 : i32
          %dma_start3A_26 = arith.constant 0 : i32
          %dma_start3A_27 = tpu.memref_slice %arg9[%dma_start3A_25, %dma_start3A_26] : memref<10112x128xf32, #tpu.memory_space<vmem_shared>> -> memref<16x128xf32, #tpu.memory_space<vmem_shared>>
          tpu.enqueue_dma source(%dma_start3A_27 : memref<16x128xf32, #tpu.memory_space<vmem_shared>>) target(%dma_start3A_24 : memref<16x128xf32, #tpu.memory_space<hbm>>) target_semaphore(%run_scoped3A : memref<!tpu.dma_semaphore, #tpu.memory_space<semaphore_mem>>)
          %dma_wait3A = arith.constant 9984 : i32
          %dma_wait3A_28 = arith.constant 0 : i32
          %dma_wait3A_29 = tpu.memref_slice %arg6[%dma_wait3A, %dma_wait3A_28] : memref<10000x128xf32, #tpu.memory_space<hbm>> -> memref<16x128xf32, #tpu.memory_space<hbm>>
          %dma_wait3A_30 = arith.constant 9984 : i32
          %dma_wait3A_31 = arith.constant 0 : i32
          %dma_wait3A_32 = tpu.memref_slice %arg9[%dma_wait3A_30, %dma_wait3A_31] : memref<10112x128xf32, #tpu.memory_space<vmem_shared>> -> memref<16x128xf32, #tpu.memory_space<vmem_shared>>
          tpu.wait_dma2 semaphore(%run_scoped3A : memref<!tpu.dma_semaphore, #tpu.memory_space<semaphore_mem>>) src(%dma_wait3A_32 : memref<16x128xf32, #tpu.memory_space<vmem_shared>>) dst(%dma_wait3A_29 : memref<16x128xf32, #tpu.memory_space<hbm>>)
          tpu.yield
        }) : () -> ()
      } else {
      }
    } else {
    }
    return
  }
}

#map = affine_map<(d0, d1) -> (0, 0)>
#map1 = affine_map<(d0, d1) -> (0, 0, 0)>
module attributes {stable_mosaic.version = 14 : i64} {
  func.func @sage_sc_agg(%arg0: i32, %arg1: i32, %arg2: memref<10000x128xf32, #tpu.memory_space<hbm>>, %arg3: memref<10000x128xf32, #tpu.memory_space<hbm>>, %arg4: memref<16x128x80xi32, #tpu.memory_space<hbm>>, %arg5: memref<16x128x80xi32, #tpu.memory_space<hbm>>, %arg6: memref<632x128xf32, #tpu.memory_space<hbm>>, %arg7: memref<10000x128xf32, #tpu.memory_space<hbm>>, %arg8: memref<10000x128xf32, #tpu.memory_space<hbm>>, %arg9: memref<4x80xi32, #tpu.memory_space<vmem>>, %arg10: memref<4x80xi32, #tpu.memory_space<vmem>>, %arg11: memref<4x80x128xf32, #tpu.memory_space<vmem>>, %arg12: memref<10112x128xf32, #tpu.memory_space<vmem_shared>>, %arg13: memref<!tpu.dma_semaphore, #tpu.memory_space<semaphore_mem>>, %arg14: memref<!tpu.dma_semaphore, #tpu.memory_space<semaphore_mem>>, %arg15: memref<!tpu.dma_semaphore, #tpu.memory_space<semaphore_mem>>, %arg16: memref<!tpu.dma_semaphore, #tpu.memory_space<semaphore_mem>>, %arg17: memref<!tpu.dma_semaphore, #tpu.memory_space<semaphore_mem>>, %arg18: memref<!tpu.dma_semaphore, #tpu.memory_space<semaphore_mem>>, %arg19: memref<!tpu.dma_semaphore, #tpu.memory_space<semaphore_mem>>, %arg20: memref<!tpu.dma_semaphore, #tpu.memory_space<semaphore_mem>>, %arg21: memref<!tpu.dma_semaphore, #tpu.memory_space<semaphore_mem>>, %arg22: memref<!tpu.dma_semaphore, #tpu.memory_space<semaphore_mem>>, %arg23: memref<!tpu.dma_semaphore, #tpu.memory_space<semaphore_mem>>, %arg24: memref<!tpu.dma_semaphore, #tpu.memory_space<semaphore_mem>>, %arg25: memref<!tpu.dma_semaphore, #tpu.memory_space<semaphore_mem>>, %arg26: memref<!tpu.dma_semaphore, #tpu.memory_space<semaphore_mem>>, %arg27: memref<!tpu.dma_semaphore, #tpu.memory_space<semaphore_mem>>, %arg28: memref<!tpu.dma_semaphore, #tpu.memory_space<semaphore_mem>>) attributes {dimension_semantics = [#tpu.dimension_semantics<core_parallel>, #tpu.dimension_semantics<subcore_parallel>], iteration_bounds = array<i64: 2, 16>, scalar_prefetch = 0 : i64, scratch_operands = 20 : i64, tpu.core_type = #tpu.core_type<sc_vector_subcore>, window_params = [{transform_indices = #map}, {transform_indices = #map}, {transform_indices = #map1}, {transform_indices = #map1}, {transform_indices = #map}, {transform_indices = #map}, {transform_indices = #map}]} {
    %mul3A = arith.constant 632 : i32
    %mul3A_0 = arith.muli %arg1, %mul3A : i32
    %multiple_of3A = tpu.assume_multiple %mul3A_0, 8 : i32
    "tpu.region"() ({
      %run_scoped3A = tpu.sem_alloc : memref<!tpu.dma_semaphore, #tpu.memory_space<semaphore_mem>>
      %dma_start3A_120 = arith.constant 0 : i32
      %dma_start3A_121 = tpu.memref_slice %arg12[%multiple_of3A, %dma_start3A_120] : memref<10112x128xf32, #tpu.memory_space<vmem_shared>> -> memref<632x128xf32, #tpu.memory_space<vmem_shared>>
      tpu.enqueue_dma source(%arg6 : memref<632x128xf32, #tpu.memory_space<hbm>>) target(%dma_start3A_121 : memref<632x128xf32, #tpu.memory_space<vmem_shared>>) target_semaphore(%run_scoped3A : memref<!tpu.dma_semaphore, #tpu.memory_space<semaphore_mem>>)
      %dma_wait3A_122 = arith.constant 0 : i32
      %dma_wait3A_123 = tpu.memref_slice %arg12[%multiple_of3A, %dma_wait3A_122] : memref<10112x128xf32, #tpu.memory_space<vmem_shared>> -> memref<632x128xf32, #tpu.memory_space<vmem_shared>>
      tpu.wait_dma2 semaphore(%run_scoped3A : memref<!tpu.dma_semaphore, #tpu.memory_space<semaphore_mem>>) src(%arg6 : memref<632x128xf32, #tpu.memory_space<hbm>>) dst(%dma_wait3A_123 : memref<632x128xf32, #tpu.memory_space<vmem_shared>>)
      tpu.yield
    }) : () -> ()
    %barrier3A = arith.constant 0 : index
    tpu.barrier barrier_id(%barrier3A)
    %dma_start3A = arith.constant 0 : i32
    %dma_start3A_1 = arith.constant 0 : i32
    %dma_start3A_2 = arith.constant 0 : i32
    %dma_start3A_3 = tpu.memref_slice %arg9[%dma_start3A_1, %dma_start3A_2] : memref<4x80xi32, #tpu.memory_space<vmem>> -> memref<1x80xi32, #tpu.memory_space<vmem>>
    %dma_start3A_4 = tpu.memref_squeeze %dma_start3A_3 : memref<1x80xi32, #tpu.memory_space<vmem>> -> memref<80xi32, #tpu.memory_space<vmem>>
    %dma_start3A_5 = arith.constant 0 : i32
    %dma_start3A_6 = tpu.memref_slice %arg4[%arg1, %dma_start3A, %dma_start3A_5] : memref<16x128x80xi32, #tpu.memory_space<hbm>> -> memref<1x1x80xi32, #tpu.memory_space<hbm>>
    %dma_start3A_7 = tpu.memref_squeeze %dma_start3A_6 : memref<1x1x80xi32, #tpu.memory_space<hbm>> -> memref<80xi32, #tpu.memory_space<hbm>>
    %dma_start3A_8 = arith.constant 0 : i32
    %dma_start3A_9 = tpu.memref_slice %arg9[%dma_start3A_1, %dma_start3A_8] : memref<4x80xi32, #tpu.memory_space<vmem>> -> memref<1x80xi32, #tpu.memory_space<vmem>>
    %dma_start3A_10 = tpu.memref_squeeze %dma_start3A_9 : memref<1x80xi32, #tpu.memory_space<vmem>> -> memref<80xi32, #tpu.memory_space<vmem>>
    %dma_start3A_11 = arith.constant 0 : i32
    %dma_start3A_12 = tpu.memref_slice %arg4[%arg1, %dma_start3A, %dma_start3A_11] : memref<16x128x80xi32, #tpu.memory_space<hbm>> -> memref<1x1x80xi32, #tpu.memory_space<hbm>>
    %dma_start3A_13 = tpu.memref_squeeze %dma_start3A_12 : memref<1x1x80xi32, #tpu.memory_space<hbm>> -> memref<80xi32, #tpu.memory_space<hbm>>
    tpu.enqueue_dma source(%dma_start3A_13 : memref<80xi32, #tpu.memory_space<hbm>>) target(%dma_start3A_10 : memref<80xi32, #tpu.memory_space<vmem>>) target_semaphore(%arg13 : memref<!tpu.dma_semaphore, #tpu.memory_space<semaphore_mem>>)
    %dma_start3A_14 = arith.constant 0 : i32
    %dma_start3A_15 = arith.constant 0 : i32
    %dma_start3A_16 = arith.constant 0 : i32
    %dma_start3A_17 = tpu.memref_slice %arg10[%dma_start3A_15, %dma_start3A_16] : memref<4x80xi32, #tpu.memory_space<vmem>> -> memref<1x80xi32, #tpu.memory_space<vmem>>
    %dma_start3A_18 = tpu.memref_squeeze %dma_start3A_17 : memref<1x80xi32, #tpu.memory_space<vmem>> -> memref<80xi32, #tpu.memory_space<vmem>>
    %dma_start3A_19 = arith.constant 0 : i32
    %dma_start3A_20 = tpu.memref_slice %arg5[%arg1, %dma_start3A_14, %dma_start3A_19] : memref<16x128x80xi32, #tpu.memory_space<hbm>> -> memref<1x1x80xi32, #tpu.memory_space<hbm>>
    %dma_start3A_21 = tpu.memref_squeeze %dma_start3A_20 : memref<1x1x80xi32, #tpu.memory_space<hbm>> -> memref<80xi32, #tpu.memory_space<hbm>>
    %dma_start3A_22 = arith.constant 0 : i32
    %dma_start3A_23 = tpu.memref_slice %arg10[%dma_start3A_15, %dma_start3A_22] : memref<4x80xi32, #tpu.memory_space<vmem>> -> memref<1x80xi32, #tpu.memory_space<vmem>>
    %dma_start3A_24 = tpu.memref_squeeze %dma_start3A_23 : memref<1x80xi32, #tpu.memory_space<vmem>> -> memref<80xi32, #tpu.memory_space<vmem>>
    %dma_start3A_25 = arith.constant 0 : i32
    %dma_start3A_26 = tpu.memref_slice %arg5[%arg1, %dma_start3A_14, %dma_start3A_25] : memref<16x128x80xi32, #tpu.memory_space<hbm>> -> memref<1x1x80xi32, #tpu.memory_space<hbm>>
    %dma_start3A_27 = tpu.memref_squeeze %dma_start3A_26 : memref<1x1x80xi32, #tpu.memory_space<hbm>> -> memref<80xi32, #tpu.memory_space<hbm>>
    tpu.enqueue_dma source(%dma_start3A_27 : memref<80xi32, #tpu.memory_space<hbm>>) target(%dma_start3A_24 : memref<80xi32, #tpu.memory_space<vmem>>) target_semaphore(%arg17 : memref<!tpu.dma_semaphore, #tpu.memory_space<semaphore_mem>>)
    %dma_start3A_28 = arith.constant 1 : i32
    %dma_start3A_29 = arith.constant 1 : i32
    %dma_start3A_30 = arith.constant 0 : i32
    %dma_start3A_31 = tpu.memref_slice %arg9[%dma_start3A_29, %dma_start3A_30] : memref<4x80xi32, #tpu.memory_space<vmem>> -> memref<1x80xi32, #tpu.memory_space<vmem>>
    %dma_start3A_32 = tpu.memref_squeeze %dma_start3A_31 : memref<1x80xi32, #tpu.memory_space<vmem>> -> memref<80xi32, #tpu.memory_space<vmem>>
    %dma_start3A_33 = arith.constant 0 : i32
    %dma_start3A_34 = tpu.memref_slice %arg4[%arg1, %dma_start3A_28, %dma_start3A_33] : memref<16x128x80xi32, #tpu.memory_space<hbm>> -> memref<1x1x80xi32, #tpu.memory_space<hbm>>
    %dma_start3A_35 = tpu.memref_squeeze %dma_start3A_34 : memref<1x1x80xi32, #tpu.memory_space<hbm>> -> memref<80xi32, #tpu.memory_space<hbm>>
    %dma_start3A_36 = arith.constant 0 : i32
    %dma_start3A_37 = tpu.memref_slice %arg9[%dma_start3A_29, %dma_start3A_36] : memref<4x80xi32, #tpu.memory_space<vmem>> -> memref<1x80xi32, #tpu.memory_space<vmem>>
    %dma_start3A_38 = tpu.memref_squeeze %dma_start3A_37 : memref<1x80xi32, #tpu.memory_space<vmem>> -> memref<80xi32, #tpu.memory_space<vmem>>
    %dma_start3A_39 = arith.constant 0 : i32
    %dma_start3A_40 = tpu.memref_slice %arg4[%arg1, %dma_start3A_28, %dma_start3A_39] : memref<16x128x80xi32, #tpu.memory_space<hbm>> -> memref<1x1x80xi32, #tpu.memory_space<hbm>>
    %dma_start3A_41 = tpu.memref_squeeze %dma_start3A_40 : memref<1x1x80xi32, #tpu.memory_space<hbm>> -> memref<80xi32, #tpu.memory_space<hbm>>
    tpu.enqueue_dma source(%dma_start3A_41 : memref<80xi32, #tpu.memory_space<hbm>>) target(%dma_start3A_38 : memref<80xi32, #tpu.memory_space<vmem>>) target_semaphore(%arg14 : memref<!tpu.dma_semaphore, #tpu.memory_space<semaphore_mem>>)
    %dma_start3A_42 = arith.constant 1 : i32
    %dma_start3A_43 = arith.constant 1 : i32
    %dma_start3A_44 = arith.constant 0 : i32
    %dma_start3A_45 = tpu.memref_slice %arg10[%dma_start3A_43, %dma_start3A_44] : memref<4x80xi32, #tpu.memory_space<vmem>> -> memref<1x80xi32, #tpu.memory_space<vmem>>
    %dma_start3A_46 = tpu.memref_squeeze %dma_start3A_45 : memref<1x80xi32, #tpu.memory_space<vmem>> -> memref<80xi32, #tpu.memory_space<vmem>>
    %dma_start3A_47 = arith.constant 0 : i32
    %dma_start3A_48 = tpu.memref_slice %arg5[%arg1, %dma_start3A_42, %dma_start3A_47] : memref<16x128x80xi32, #tpu.memory_space<hbm>> -> memref<1x1x80xi32, #tpu.memory_space<hbm>>
    %dma_start3A_49 = tpu.memref_squeeze %dma_start3A_48 : memref<1x1x80xi32, #tpu.memory_space<hbm>> -> memref<80xi32, #tpu.memory_space<hbm>>
    %dma_start3A_50 = arith.constant 0 : i32
    %dma_start3A_51 = tpu.memref_slice %arg10[%dma_start3A_43, %dma_start3A_50] : memref<4x80xi32, #tpu.memory_space<vmem>> -> memref<1x80xi32, #tpu.memory_space<vmem>>
    %dma_start3A_52 = tpu.memref_squeeze %dma_start3A_51 : memref<1x80xi32, #tpu.memory_space<vmem>> -> memref<80xi32, #tpu.memory_space<vmem>>
    %dma_start3A_53 = arith.constant 0 : i32
    %dma_start3A_54 = tpu.memref_slice %arg5[%arg1, %dma_start3A_42, %dma_start3A_53] : memref<16x128x80xi32, #tpu.memory_space<hbm>> -> memref<1x1x80xi32, #tpu.memory_space<hbm>>
    %dma_start3A_55 = tpu.memref_squeeze %dma_start3A_54 : memref<1x1x80xi32, #tpu.memory_space<hbm>> -> memref<80xi32, #tpu.memory_space<hbm>>
    tpu.enqueue_dma source(%dma_start3A_55 : memref<80xi32, #tpu.memory_space<hbm>>) target(%dma_start3A_52 : memref<80xi32, #tpu.memory_space<vmem>>) target_semaphore(%arg18 : memref<!tpu.dma_semaphore, #tpu.memory_space<semaphore_mem>>)
    %dma_wait3A = arith.constant 0 : i32
    %dma_wait3A_56 = arith.constant 0 : i32
    %dma_wait3A_57 = arith.constant 0 : i32
    %dma_wait3A_58 = tpu.memref_slice %arg9[%dma_wait3A_56, %dma_wait3A_57] : memref<4x80xi32, #tpu.memory_space<vmem>> -> memref<1x80xi32, #tpu.memory_space<vmem>>
    %dma_wait3A_59 = tpu.memref_squeeze %dma_wait3A_58 : memref<1x80xi32, #tpu.memory_space<vmem>> -> memref<80xi32, #tpu.memory_space<vmem>>
    %dma_wait3A_60 = arith.constant 0 : i32
    %dma_wait3A_61 = tpu.memref_slice %arg4[%arg1, %dma_wait3A, %dma_wait3A_60] : memref<16x128x80xi32, #tpu.memory_space<hbm>> -> memref<1x1x80xi32, #tpu.memory_space<hbm>>
    %dma_wait3A_62 = tpu.memref_squeeze %dma_wait3A_61 : memref<1x1x80xi32, #tpu.memory_space<hbm>> -> memref<80xi32, #tpu.memory_space<hbm>>
    %dma_wait3A_63 = arith.constant 0 : i32
    %dma_wait3A_64 = tpu.memref_slice %arg9[%dma_wait3A_56, %dma_wait3A_63] : memref<4x80xi32, #tpu.memory_space<vmem>> -> memref<1x80xi32, #tpu.memory_space<vmem>>
    %dma_wait3A_65 = tpu.memref_squeeze %dma_wait3A_64 : memref<1x80xi32, #tpu.memory_space<vmem>> -> memref<80xi32, #tpu.memory_space<vmem>>
    %dma_wait3A_66 = arith.constant 0 : i32
    %dma_wait3A_67 = tpu.memref_slice %arg4[%arg1, %dma_wait3A, %dma_wait3A_66] : memref<16x128x80xi32, #tpu.memory_space<hbm>> -> memref<1x1x80xi32, #tpu.memory_space<hbm>>
    %dma_wait3A_68 = tpu.memref_squeeze %dma_wait3A_67 : memref<1x1x80xi32, #tpu.memory_space<hbm>> -> memref<80xi32, #tpu.memory_space<hbm>>
    tpu.wait_dma2 semaphore(%arg13 : memref<!tpu.dma_semaphore, #tpu.memory_space<semaphore_mem>>) src(%dma_wait3A_68 : memref<80xi32, #tpu.memory_space<hbm>>) dst(%dma_wait3A_65 : memref<80xi32, #tpu.memory_space<vmem>>)
    %eq3A = arith.constant 0 : i32
    %eq3A_69 = arith.cmpi eq, %arg0, %eq3A : i32
    %convert_element_type3A = arith.extui %eq3A_69 : i1 to i32
    %cond3A = arith.constant 0 : i32
    %cond3A_70 = arith.cmpi ne, %convert_element_type3A, %cond3A : i32
    scf.if %cond3A_70 {
      %dma_start3A_120 = arith.constant 0 : i32
      %dma_start3A_121 = arith.constant 0 : i32
      %dma_start3A_122 = arith.constant 0 : i32
      %dma_start3A_123 = arith.constant 0 : i32
      %dma_start3A_124 = tpu.memref_slice %arg11[%dma_start3A_121, %dma_start3A_122, %dma_start3A_123] : memref<4x80x128xf32, #tpu.memory_space<vmem>> -> memref<1x80x128xf32, #tpu.memory_space<vmem>>
      %dma_start3A_125 = tpu.memref_squeeze %dma_start3A_124 : memref<1x80x128xf32, #tpu.memory_space<vmem>> -> memref<80x128xf32, #tpu.memory_space<vmem>>
      %dma_start3A_126 = arith.constant 0 : i32
      %dma_start3A_127 = tpu.memref_slice %arg9[%dma_start3A_120, %dma_start3A_126] : memref<4x80xi32, #tpu.memory_space<vmem>> -> memref<1x80xi32, #tpu.memory_space<vmem>>
      %dma_start3A_128 = tpu.memref_squeeze %dma_start3A_127 : memref<1x80xi32, #tpu.memory_space<vmem>> -> memref<80xi32, #tpu.memory_space<vmem>>
      %dma_start3A_129 = arith.constant 0 : i32
      %dma_start3A_130 = arith.constant 0 : i32
      %dma_start3A_131 = tpu.memref_slice %arg2[%dma_start3A_129, %dma_start3A_130] : memref<10000x128xf32, #tpu.memory_space<hbm>> -> memref<10000x128xf32, #tpu.memory_space<hbm>>
      tpu.enqueue_indirect_dma source(%dma_start3A_131 : memref<10000x128xf32, #tpu.memory_space<hbm>>) target(%dma_start3A_125 : memref<80x128xf32, #tpu.memory_space<vmem>>) offsets(%dma_start3A_128 : memref<80xi32, #tpu.memory_space<vmem>>) semaphore(%arg21 : memref<!tpu.dma_semaphore, #tpu.memory_space<semaphore_mem>>)
    } else {
    }
    %ne3A = arith.constant 0 : i32
    %ne3A_71 = arith.cmpi ne, %arg0, %ne3A : i32
    %convert_element_type3A_72 = arith.extui %ne3A_71 : i1 to i32
    %cond3A_73 = arith.constant 0 : i32
    %cond3A_74 = arith.cmpi ne, %convert_element_type3A_72, %cond3A_73 : i32
    scf.if %cond3A_74 {
      %dma_start3A_120 = arith.constant 0 : i32
      %dma_start3A_121 = arith.constant 0 : i32
      %dma_start3A_122 = arith.constant 0 : i32
      %dma_start3A_123 = arith.constant 0 : i32
      %dma_start3A_124 = tpu.memref_slice %arg11[%dma_start3A_121, %dma_start3A_122, %dma_start3A_123] : memref<4x80x128xf32, #tpu.memory_space<vmem>> -> memref<1x80x128xf32, #tpu.memory_space<vmem>>
      %dma_start3A_125 = tpu.memref_squeeze %dma_start3A_124 : memref<1x80x128xf32, #tpu.memory_space<vmem>> -> memref<80x128xf32, #tpu.memory_space<vmem>>
      %dma_start3A_126 = arith.constant 0 : i32
      %dma_start3A_127 = tpu.memref_slice %arg9[%dma_start3A_120, %dma_start3A_126] : memref<4x80xi32, #tpu.memory_space<vmem>> -> memref<1x80xi32, #tpu.memory_space<vmem>>
      %dma_start3A_128 = tpu.memref_squeeze %dma_start3A_127 : memref<1x80xi32, #tpu.memory_space<vmem>> -> memref<80xi32, #tpu.memory_space<vmem>>
      %dma_start3A_129 = arith.constant 0 : i32
      %dma_start3A_130 = arith.constant 0 : i32
      %dma_start3A_131 = tpu.memref_slice %arg3[%dma_start3A_129, %dma_start3A_130] : memref<10000x128xf32, #tpu.memory_space<hbm>> -> memref<10000x128xf32, #tpu.memory_space<hbm>>
      tpu.enqueue_indirect_dma source(%dma_start3A_131 : memref<10000x128xf32, #tpu.memory_space<hbm>>) target(%dma_start3A_125 : memref<80x128xf32, #tpu.memory_space<vmem>>) offsets(%dma_start3A_128 : memref<80xi32, #tpu.memory_space<vmem>>) semaphore(%arg21 : memref<!tpu.dma_semaphore, #tpu.memory_space<semaphore_mem>>)
    } else {
    }
    %scan3A = arith.constant 0 : i32
    %scan3A_75 = arith.constant 0 : i32
    %scan3A_76 = arith.constant 32 : i32
    %scan3A_77 = arith.addi %scan3A_75, %scan3A_76 : i32
    %scan3A_78 = arith.constant 1 : i32
    scf.for %scan3A_120 = %scan3A_75 to %scan3A_77 step %scan3A_78  : i32 {
      %mul3A_121 = arith.constant 4 : i32
      %mul3A_122 = arith.muli %scan3A_120, %mul3A_121 : i32
      %add3A = arith.constant 0 : i32
      %add3A_123 = arith.addi %mul3A_122, %add3A : i32
      %ge3A = arith.constant 2 : i32
      %ge3A_124 = arith.cmpi sge, %add3A_123, %ge3A : i32
      %convert_element_type3A_125 = arith.extui %ge3A_124 : i1 to i32
      %cond3A_126 = arith.constant 0 : i32
      %cond3A_127 = arith.cmpi ne, %convert_element_type3A_125, %cond3A_126 : i32
      scf.if %cond3A_127 {
        %sub3A = arith.constant 2 : i32
        %sub3A_350 = arith.subi %add3A_123, %sub3A : i32
        %dma_wait3A_351 = arith.constant 2 : i32
        %dma_wait3A_352 = arith.constant 2 : i32
        %dma_wait3A_353 = arith.constant 0 : i32
        %dma_wait3A_354 = arith.constant 0 : i32
        %dma_wait3A_355 = tpu.memref_slice %arg11[%dma_wait3A_351, %dma_wait3A_353, %dma_wait3A_354] : memref<4x80x128xf32, #tpu.memory_space<vmem>> -> memref<1x80x128xf32, #tpu.memory_space<vmem>>
        %dma_wait3A_356 = tpu.memref_squeeze %dma_wait3A_355 : memref<1x80x128xf32, #tpu.memory_space<vmem>> -> memref<80x128xf32, #tpu.memory_space<vmem>>
        %dma_wait3A_357 = arith.constant 0 : i32
        %dma_wait3A_358 = tpu.memref_slice %arg10[%dma_wait3A_352, %dma_wait3A_357] : memref<4x80xi32, #tpu.memory_space<vmem>> -> memref<1x80xi32, #tpu.memory_space<vmem>>
        %dma_wait3A_359 = tpu.memref_squeeze %dma_wait3A_358 : memref<1x80xi32, #tpu.memory_space<vmem>> -> memref<80xi32, #tpu.memory_space<vmem>>
        %dma_wait3A_360 = arith.constant 0 : i32
        %dma_wait3A_361 = arith.constant 0 : i32
        %dma_wait3A_362 = tpu.memref_slice %arg12[%dma_wait3A_360, %dma_wait3A_361] : memref<10112x128xf32, #tpu.memory_space<vmem_shared>> -> memref<10112x128xf32, #tpu.memory_space<vmem_shared>>
        tpu.wait_indirect_dma semaphore(%arg27 : memref<!tpu.dma_semaphore, #tpu.memory_space<semaphore_mem>>) src(%dma_wait3A_356 : memref<80x128xf32, #tpu.memory_space<vmem>>) dst(%dma_wait3A_362 : memref<10112x128xf32, #tpu.memory_space<vmem_shared>>)
      } else {
      }
      %add3A_128 = arith.constant 2 : i32
      %add3A_129 = arith.addi %add3A_123, %add3A_128 : i32
      %lt3A = arith.constant 128 : i32
      %lt3A_130 = arith.cmpi slt, %add3A_129, %lt3A : i32
      %convert_element_type3A_131 = arith.extui %lt3A_130 : i1 to i32
      %cond3A_132 = arith.constant 0 : i32
      %cond3A_133 = arith.cmpi ne, %convert_element_type3A_131, %cond3A_132 : i32
      scf.if %cond3A_133 {
        %add3A_350 = arith.constant 2 : i32
        %add3A_351 = arith.addi %add3A_123, %add3A_350 : i32
        %dma_start3A_352 = arith.constant 2 : i32
        %dma_start3A_353 = arith.constant 0 : i32
        %dma_start3A_354 = tpu.memref_slice %arg9[%dma_start3A_352, %dma_start3A_353] : memref<4x80xi32, #tpu.memory_space<vmem>> -> memref<1x80xi32, #tpu.memory_space<vmem>>
        %dma_start3A_355 = tpu.memref_squeeze %dma_start3A_354 : memref<1x80xi32, #tpu.memory_space<vmem>> -> memref<80xi32, #tpu.memory_space<vmem>>
        %dma_start3A_356 = arith.constant 0 : i32
        %dma_start3A_357 = tpu.memref_slice %arg4[%arg1, %add3A_351, %dma_start3A_356] : memref<16x128x80xi32, #tpu.memory_space<hbm>> -> memref<1x1x80xi32, #tpu.memory_space<hbm>>
        %dma_start3A_358 = tpu.memref_squeeze %dma_start3A_357 : memref<1x1x80xi32, #tpu.memory_space<hbm>> -> memref<80xi32, #tpu.memory_space<hbm>>
        %dma_start3A_359 = arith.constant 0 : i32
        %dma_start3A_360 = tpu.memref_slice %arg9[%dma_start3A_352, %dma_start3A_359] : memref<4x80xi32, #tpu.memory_space<vmem>> -> memref<1x80xi32, #tpu.memory_space<vmem>>
        %dma_start3A_361 = tpu.memref_squeeze %dma_start3A_360 : memref<1x80xi32, #tpu.memory_space<vmem>> -> memref<80xi32, #tpu.memory_space<vmem>>
        %dma_start3A_362 = arith.constant 0 : i32
        %dma_start3A_363 = tpu.memref_slice %arg4[%arg1, %add3A_351, %dma_start3A_362] : memref<16x128x80xi32, #tpu.memory_space<hbm>> -> memref<1x1x80xi32, #tpu.memory_space<hbm>>
        %dma_start3A_364 = tpu.memref_squeeze %dma_start3A_363 : memref<1x1x80xi32, #tpu.memory_space<hbm>> -> memref<80xi32, #tpu.memory_space<hbm>>
        tpu.enqueue_dma source(%dma_start3A_364 : memref<80xi32, #tpu.memory_space<hbm>>) target(%dma_start3A_361 : memref<80xi32, #tpu.memory_space<vmem>>) target_semaphore(%arg15 : memref<!tpu.dma_semaphore, #tpu.memory_space<semaphore_mem>>)
        %dma_start3A_365 = arith.constant 2 : i32
        %dma_start3A_366 = arith.constant 0 : i32
        %dma_start3A_367 = tpu.memref_slice %arg10[%dma_start3A_365, %dma_start3A_366] : memref<4x80xi32, #tpu.memory_space<vmem>> -> memref<1x80xi32, #tpu.memory_space<vmem>>
        %dma_start3A_368 = tpu.memref_squeeze %dma_start3A_367 : memref<1x80xi32, #tpu.memory_space<vmem>> -> memref<80xi32, #tpu.memory_space<vmem>>
        %dma_start3A_369 = arith.constant 0 : i32
        %dma_start3A_370 = tpu.memref_slice %arg5[%arg1, %add3A_351, %dma_start3A_369] : memref<16x128x80xi32, #tpu.memory_space<hbm>> -> memref<1x1x80xi32, #tpu.memory_space<hbm>>
        %dma_start3A_371 = tpu.memref_squeeze %dma_start3A_370 : memref<1x1x80xi32, #tpu.memory_space<hbm>> -> memref<80xi32, #tpu.memory_space<hbm>>
        %dma_start3A_372 = arith.constant 0 : i32
        %dma_start3A_373 = tpu.memref_slice %arg10[%dma_start3A_365, %dma_start3A_372] : memref<4x80xi32, #tpu.memory_space<vmem>> -> memref<1x80xi32, #tpu.memory_space<vmem>>
        %dma_start3A_374 = tpu.memref_squeeze %dma_start3A_373 : memref<1x80xi32, #tpu.memory_space<vmem>> -> memref<80xi32, #tpu.memory_space<vmem>>
        %dma_start3A_375 = arith.constant 0 : i32
        %dma_start3A_376 = tpu.memref_slice %arg5[%arg1, %add3A_351, %dma_start3A_375] : memref<16x128x80xi32, #tpu.memory_space<hbm>> -> memref<1x1x80xi32, #tpu.memory_space<hbm>>
        %dma_start3A_377 = tpu.memref_squeeze %dma_start3A_376 : memref<1x1x80xi32, #tpu.memory_space<hbm>> -> memref<80xi32, #tpu.memory_space<hbm>>
        tpu.enqueue_dma source(%dma_start3A_377 : memref<80xi32, #tpu.memory_space<hbm>>) target(%dma_start3A_374 : memref<80xi32, #tpu.memory_space<vmem>>) target_semaphore(%arg19 : memref<!tpu.dma_semaphore, #tpu.memory_space<semaphore_mem>>)
      } else {
      }
      %add3A_134 = arith.constant 1 : i32
      %add3A_135 = arith.addi %add3A_123, %add3A_134 : i32
      %lt3A_136 = arith.constant 128 : i32
      %lt3A_137 = arith.cmpi slt, %add3A_135, %lt3A_136 : i32
      %convert_element_type3A_138 = arith.extui %lt3A_137 : i1 to i32
      %cond3A_139 = arith.constant 0 : i32
      %cond3A_140 = arith.cmpi ne, %convert_element_type3A_138, %cond3A_139 : i32
      scf.if %cond3A_140 {
        %add3A_350 = arith.constant 1 : i32
        %add3A_351 = arith.addi %add3A_123, %add3A_350 : i32
        %dma_wait3A_352 = arith.constant 1 : i32
        %dma_wait3A_353 = arith.constant 0 : i32
        %dma_wait3A_354 = tpu.memref_slice %arg9[%dma_wait3A_352, %dma_wait3A_353] : memref<4x80xi32, #tpu.memory_space<vmem>> -> memref<1x80xi32, #tpu.memory_space<vmem>>
        %dma_wait3A_355 = tpu.memref_squeeze %dma_wait3A_354 : memref<1x80xi32, #tpu.memory_space<vmem>> -> memref<80xi32, #tpu.memory_space<vmem>>
        %dma_wait3A_356 = arith.constant 0 : i32
        %dma_wait3A_357 = tpu.memref_slice %arg4[%arg1, %add3A_351, %dma_wait3A_356] : memref<16x128x80xi32, #tpu.memory_space<hbm>> -> memref<1x1x80xi32, #tpu.memory_space<hbm>>
        %dma_wait3A_358 = tpu.memref_squeeze %dma_wait3A_357 : memref<1x1x80xi32, #tpu.memory_space<hbm>> -> memref<80xi32, #tpu.memory_space<hbm>>
        %dma_wait3A_359 = arith.constant 0 : i32
        %dma_wait3A_360 = tpu.memref_slice %arg9[%dma_wait3A_352, %dma_wait3A_359] : memref<4x80xi32, #tpu.memory_space<vmem>> -> memref<1x80xi32, #tpu.memory_space<vmem>>
        %dma_wait3A_361 = tpu.memref_squeeze %dma_wait3A_360 : memref<1x80xi32, #tpu.memory_space<vmem>> -> memref<80xi32, #tpu.memory_space<vmem>>
        %dma_wait3A_362 = arith.constant 0 : i32
        %dma_wait3A_363 = tpu.memref_slice %arg4[%arg1, %add3A_351, %dma_wait3A_362] : memref<16x128x80xi32, #tpu.memory_space<hbm>> -> memref<1x1x80xi32, #tpu.memory_space<hbm>>
        %dma_wait3A_364 = tpu.memref_squeeze %dma_wait3A_363 : memref<1x1x80xi32, #tpu.memory_space<hbm>> -> memref<80xi32, #tpu.memory_space<hbm>>
        tpu.wait_dma2 semaphore(%arg14 : memref<!tpu.dma_semaphore, #tpu.memory_space<semaphore_mem>>) src(%dma_wait3A_364 : memref<80xi32, #tpu.memory_space<hbm>>) dst(%dma_wait3A_361 : memref<80xi32, #tpu.memory_space<vmem>>)
        %add3A_365 = arith.constant 1 : i32
        %add3A_366 = arith.addi %add3A_123, %add3A_365 : i32
        %eq3A_367 = arith.constant 0 : i32
        %eq3A_368 = arith.cmpi eq, %arg0, %eq3A_367 : i32
        %convert_element_type3A_369 = arith.extui %eq3A_368 : i1 to i32
        %cond3A_370 = arith.constant 0 : i32
        %cond3A_371 = arith.cmpi ne, %convert_element_type3A_369, %cond3A_370 : i32
        scf.if %cond3A_371 {
          %dma_start3A_377 = arith.constant 1 : i32
          %dma_start3A_378 = arith.constant 1 : i32
          %dma_start3A_379 = arith.constant 0 : i32
          %dma_start3A_380 = arith.constant 0 : i32
          %dma_start3A_381 = tpu.memref_slice %arg11[%dma_start3A_378, %dma_start3A_379, %dma_start3A_380] : memref<4x80x128xf32, #tpu.memory_space<vmem>> -> memref<1x80x128xf32, #tpu.memory_space<vmem>>
          %dma_start3A_382 = tpu.memref_squeeze %dma_start3A_381 : memref<1x80x128xf32, #tpu.memory_space<vmem>> -> memref<80x128xf32, #tpu.memory_space<vmem>>
          %dma_start3A_383 = arith.constant 0 : i32
          %dma_start3A_384 = tpu.memref_slice %arg9[%dma_start3A_377, %dma_start3A_383] : memref<4x80xi32, #tpu.memory_space<vmem>> -> memref<1x80xi32, #tpu.memory_space<vmem>>
          %dma_start3A_385 = tpu.memref_squeeze %dma_start3A_384 : memref<1x80xi32, #tpu.memory_space<vmem>> -> memref<80xi32, #tpu.memory_space<vmem>>
          %dma_start3A_386 = arith.constant 0 : i32
          %dma_start3A_387 = arith.constant 0 : i32
          %dma_start3A_388 = tpu.memref_slice %arg2[%dma_start3A_386, %dma_start3A_387] : memref<10000x128xf32, #tpu.memory_space<hbm>> -> memref<10000x128xf32, #tpu.memory_space<hbm>>
          tpu.enqueue_indirect_dma source(%dma_start3A_388 : memref<10000x128xf32, #tpu.memory_space<hbm>>) target(%dma_start3A_382 : memref<80x128xf32, #tpu.memory_space<vmem>>) offsets(%dma_start3A_385 : memref<80xi32, #tpu.memory_space<vmem>>) semaphore(%arg22 : memref<!tpu.dma_semaphore, #tpu.memory_space<semaphore_mem>>)
        } else {
        }
        %ne3A_372 = arith.constant 0 : i32
        %ne3A_373 = arith.cmpi ne, %arg0, %ne3A_372 : i32
        %convert_element_type3A_374 = arith.extui %ne3A_373 : i1 to i32
        %cond3A_375 = arith.constant 0 : i32
        %cond3A_376 = arith.cmpi ne, %convert_element_type3A_374, %cond3A_375 : i32
        scf.if %cond3A_376 {
          %dma_start3A_377 = arith.constant 1 : i32
          %dma_start3A_378 = arith.constant 1 : i32
          %dma_start3A_379 = arith.constant 0 : i32
          %dma_start3A_380 = arith.constant 0 : i32
          %dma_start3A_381 = tpu.memref_slice %arg11[%dma_start3A_378, %dma_start3A_379, %dma_start3A_380] : memref<4x80x128xf32, #tpu.memory_space<vmem>> -> memref<1x80x128xf32, #tpu.memory_space<vmem>>
          %dma_start3A_382 = tpu.memref_squeeze %dma_start3A_381 : memref<1x80x128xf32, #tpu.memory_space<vmem>> -> memref<80x128xf32, #tpu.memory_space<vmem>>
          %dma_start3A_383 = arith.constant 0 : i32
          %dma_start3A_384 = tpu.memref_slice %arg9[%dma_start3A_377, %dma_start3A_383] : memref<4x80xi32, #tpu.memory_space<vmem>> -> memref<1x80xi32, #tpu.memory_space<vmem>>
          %dma_start3A_385 = tpu.memref_squeeze %dma_start3A_384 : memref<1x80xi32, #tpu.memory_space<vmem>> -> memref<80xi32, #tpu.memory_space<vmem>>
          %dma_start3A_386 = arith.constant 0 : i32
          %dma_start3A_387 = arith.constant 0 : i32
          %dma_start3A_388 = tpu.memref_slice %arg3[%dma_start3A_386, %dma_start3A_387] : memref<10000x128xf32, #tpu.memory_space<hbm>> -> memref<10000x128xf32, #tpu.memory_space<hbm>>
          tpu.enqueue_indirect_dma source(%dma_start3A_388 : memref<10000x128xf32, #tpu.memory_space<hbm>>) target(%dma_start3A_382 : memref<80x128xf32, #tpu.memory_space<vmem>>) offsets(%dma_start3A_385 : memref<80xi32, #tpu.memory_space<vmem>>) semaphore(%arg22 : memref<!tpu.dma_semaphore, #tpu.memory_space<semaphore_mem>>)
        } else {
        }
      } else {
      }
      %eq3A_141 = arith.constant 0 : i32
      %eq3A_142 = arith.cmpi eq, %arg0, %eq3A_141 : i32
      %convert_element_type3A_143 = arith.extui %eq3A_142 : i1 to i32
      %cond3A_144 = arith.constant 0 : i32
      %cond3A_145 = arith.cmpi ne, %convert_element_type3A_143, %cond3A_144 : i32
      scf.if %cond3A_145 {
        %dma_wait3A_350 = arith.constant 0 : i32
        %dma_wait3A_351 = arith.constant 0 : i32
        %dma_wait3A_352 = arith.constant 0 : i32
        %dma_wait3A_353 = arith.constant 0 : i32
        %dma_wait3A_354 = tpu.memref_slice %arg11[%dma_wait3A_351, %dma_wait3A_352, %dma_wait3A_353] : memref<4x80x128xf32, #tpu.memory_space<vmem>> -> memref<1x80x128xf32, #tpu.memory_space<vmem>>
        %dma_wait3A_355 = tpu.memref_squeeze %dma_wait3A_354 : memref<1x80x128xf32, #tpu.memory_space<vmem>> -> memref<80x128xf32, #tpu.memory_space<vmem>>
        %dma_wait3A_356 = arith.constant 0 : i32
        %dma_wait3A_357 = tpu.memref_slice %arg9[%dma_wait3A_350, %dma_wait3A_356] : memref<4x80xi32, #tpu.memory_space<vmem>> -> memref<1x80xi32, #tpu.memory_space<vmem>>
        %dma_wait3A_358 = tpu.memref_squeeze %dma_wait3A_357 : memref<1x80xi32, #tpu.memory_space<vmem>> -> memref<80xi32, #tpu.memory_space<vmem>>
        %dma_wait3A_359 = arith.constant 0 : i32
        %dma_wait3A_360 = arith.constant 0 : i32
        %dma_wait3A_361 = tpu.memref_slice %arg2[%dma_wait3A_359, %dma_wait3A_360] : memref<10000x128xf32, #tpu.memory_space<hbm>> -> memref<10000x128xf32, #tpu.memory_space<hbm>>
        tpu.wait_indirect_dma semaphore(%arg21 : memref<!tpu.dma_semaphore, #tpu.memory_space<semaphore_mem>>) src(%dma_wait3A_361 : memref<10000x128xf32, #tpu.memory_space<hbm>>) dst(%dma_wait3A_355 : memref<80x128xf32, #tpu.memory_space<vmem>>)
      } else {
      }
      %ne3A_146 = arith.constant 0 : i32
      %ne3A_147 = arith.cmpi ne, %arg0, %ne3A_146 : i32
      %convert_element_type3A_148 = arith.extui %ne3A_147 : i1 to i32
      %cond3A_149 = arith.constant 0 : i32
      %cond3A_150 = arith.cmpi ne, %convert_element_type3A_148, %cond3A_149 : i32
      scf.if %cond3A_150 {
        %dma_wait3A_350 = arith.constant 0 : i32
        %dma_wait3A_351 = arith.constant 0 : i32
        %dma_wait3A_352 = arith.constant 0 : i32
        %dma_wait3A_353 = arith.constant 0 : i32
        %dma_wait3A_354 = tpu.memref_slice %arg11[%dma_wait3A_351, %dma_wait3A_352, %dma_wait3A_353] : memref<4x80x128xf32, #tpu.memory_space<vmem>> -> memref<1x80x128xf32, #tpu.memory_space<vmem>>
        %dma_wait3A_355 = tpu.memref_squeeze %dma_wait3A_354 : memref<1x80x128xf32, #tpu.memory_space<vmem>> -> memref<80x128xf32, #tpu.memory_space<vmem>>
        %dma_wait3A_356 = arith.constant 0 : i32
        %dma_wait3A_357 = tpu.memref_slice %arg9[%dma_wait3A_350, %dma_wait3A_356] : memref<4x80xi32, #tpu.memory_space<vmem>> -> memref<1x80xi32, #tpu.memory_space<vmem>>
        %dma_wait3A_358 = tpu.memref_squeeze %dma_wait3A_357 : memref<1x80xi32, #tpu.memory_space<vmem>> -> memref<80xi32, #tpu.memory_space<vmem>>
        %dma_wait3A_359 = arith.constant 0 : i32
        %dma_wait3A_360 = arith.constant 0 : i32
        %dma_wait3A_361 = tpu.memref_slice %arg3[%dma_wait3A_359, %dma_wait3A_360] : memref<10000x128xf32, #tpu.memory_space<hbm>> -> memref<10000x128xf32, #tpu.memory_space<hbm>>
        tpu.wait_indirect_dma semaphore(%arg21 : memref<!tpu.dma_semaphore, #tpu.memory_space<semaphore_mem>>) src(%dma_wait3A_361 : memref<10000x128xf32, #tpu.memory_space<hbm>>) dst(%dma_wait3A_355 : memref<80x128xf32, #tpu.memory_space<vmem>>)
      } else {
      }
      %dma_wait3A_151 = arith.constant 0 : i32
      %dma_wait3A_152 = arith.constant 0 : i32
      %dma_wait3A_153 = tpu.memref_slice %arg10[%dma_wait3A_151, %dma_wait3A_152] : memref<4x80xi32, #tpu.memory_space<vmem>> -> memref<1x80xi32, #tpu.memory_space<vmem>>
      %dma_wait3A_154 = tpu.memref_squeeze %dma_wait3A_153 : memref<1x80xi32, #tpu.memory_space<vmem>> -> memref<80xi32, #tpu.memory_space<vmem>>
      %dma_wait3A_155 = arith.constant 0 : i32
      %dma_wait3A_156 = tpu.memref_slice %arg5[%arg1, %add3A_123, %dma_wait3A_155] : memref<16x128x80xi32, #tpu.memory_space<hbm>> -> memref<1x1x80xi32, #tpu.memory_space<hbm>>
      %dma_wait3A_157 = tpu.memref_squeeze %dma_wait3A_156 : memref<1x1x80xi32, #tpu.memory_space<hbm>> -> memref<80xi32, #tpu.memory_space<hbm>>
      %dma_wait3A_158 = arith.constant 0 : i32
      %dma_wait3A_159 = tpu.memref_slice %arg10[%dma_wait3A_151, %dma_wait3A_158] : memref<4x80xi32, #tpu.memory_space<vmem>> -> memref<1x80xi32, #tpu.memory_space<vmem>>
      %dma_wait3A_160 = tpu.memref_squeeze %dma_wait3A_159 : memref<1x80xi32, #tpu.memory_space<vmem>> -> memref<80xi32, #tpu.memory_space<vmem>>
      %dma_wait3A_161 = arith.constant 0 : i32
      %dma_wait3A_162 = tpu.memref_slice %arg5[%arg1, %add3A_123, %dma_wait3A_161] : memref<16x128x80xi32, #tpu.memory_space<hbm>> -> memref<1x1x80xi32, #tpu.memory_space<hbm>>
      %dma_wait3A_163 = tpu.memref_squeeze %dma_wait3A_162 : memref<1x1x80xi32, #tpu.memory_space<hbm>> -> memref<80xi32, #tpu.memory_space<hbm>>
      tpu.wait_dma2 semaphore(%arg17 : memref<!tpu.dma_semaphore, #tpu.memory_space<semaphore_mem>>) src(%dma_wait3A_163 : memref<80xi32, #tpu.memory_space<hbm>>) dst(%dma_wait3A_160 : memref<80xi32, #tpu.memory_space<vmem>>)
      %dma_start3A_164 = arith.constant 0 : i32
      %dma_start3A_165 = arith.constant 0 : i32
      %dma_start3A_166 = arith.constant 0 : i32
      %dma_start3A_167 = arith.constant 0 : i32
      %dma_start3A_168 = tpu.memref_slice %arg11[%dma_start3A_164, %dma_start3A_166, %dma_start3A_167] : memref<4x80x128xf32, #tpu.memory_space<vmem>> -> memref<1x80x128xf32, #tpu.memory_space<vmem>>
      %dma_start3A_169 = tpu.memref_squeeze %dma_start3A_168 : memref<1x80x128xf32, #tpu.memory_space<vmem>> -> memref<80x128xf32, #tpu.memory_space<vmem>>
      %dma_start3A_170 = arith.constant 0 : i32
      %dma_start3A_171 = tpu.memref_slice %arg10[%dma_start3A_165, %dma_start3A_170] : memref<4x80xi32, #tpu.memory_space<vmem>> -> memref<1x80xi32, #tpu.memory_space<vmem>>
      %dma_start3A_172 = tpu.memref_squeeze %dma_start3A_171 : memref<1x80xi32, #tpu.memory_space<vmem>> -> memref<80xi32, #tpu.memory_space<vmem>>
      %dma_start3A_173 = arith.constant 0 : i32
      %dma_start3A_174 = arith.constant 0 : i32
      %dma_start3A_175 = tpu.memref_slice %arg12[%dma_start3A_173, %dma_start3A_174] : memref<10112x128xf32, #tpu.memory_space<vmem_shared>> -> memref<10112x128xf32, #tpu.memory_space<vmem_shared>>
      tpu.enqueue_indirect_dma source(%dma_start3A_169 : memref<80x128xf32, #tpu.memory_space<vmem>>) target(%dma_start3A_175 : memref<10112x128xf32, #tpu.memory_space<vmem_shared>>) offsets(%dma_start3A_172 : memref<80xi32, #tpu.memory_space<vmem>>) semaphore(%arg25 : memref<!tpu.dma_semaphore, #tpu.memory_space<semaphore_mem>>) {add = true}
      %mul3A_176 = arith.constant 4 : i32
      %mul3A_177 = arith.muli %scan3A_120, %mul3A_176 : i32
      %add3A_178 = arith.constant 1 : i32
      %add3A_179 = arith.addi %mul3A_177, %add3A_178 : i32
      %ge3A_180 = arith.constant 2 : i32
      %ge3A_181 = arith.cmpi sge, %add3A_179, %ge3A_180 : i32
      %convert_element_type3A_182 = arith.extui %ge3A_181 : i1 to i32
      %cond3A_183 = arith.constant 0 : i32
      %cond3A_184 = arith.cmpi ne, %convert_element_type3A_182, %cond3A_183 : i32
      scf.if %cond3A_184 {
        %sub3A = arith.constant 2 : i32
        %sub3A_350 = arith.subi %add3A_179, %sub3A : i32
        %dma_wait3A_351 = arith.constant 3 : i32
        %dma_wait3A_352 = arith.constant 3 : i32
        %dma_wait3A_353 = arith.constant 0 : i32
        %dma_wait3A_354 = arith.constant 0 : i32
        %dma_wait3A_355 = tpu.memref_slice %arg11[%dma_wait3A_351, %dma_wait3A_353, %dma_wait3A_354] : memref<4x80x128xf32, #tpu.memory_space<vmem>> -> memref<1x80x128xf32, #tpu.memory_space<vmem>>
        %dma_wait3A_356 = tpu.memref_squeeze %dma_wait3A_355 : memref<1x80x128xf32, #tpu.memory_space<vmem>> -> memref<80x128xf32, #tpu.memory_space<vmem>>
        %dma_wait3A_357 = arith.constant 0 : i32
        %dma_wait3A_358 = tpu.memref_slice %arg10[%dma_wait3A_352, %dma_wait3A_357] : memref<4x80xi32, #tpu.memory_space<vmem>> -> memref<1x80xi32, #tpu.memory_space<vmem>>
        %dma_wait3A_359 = tpu.memref_squeeze %dma_wait3A_358 : memref<1x80xi32, #tpu.memory_space<vmem>> -> memref<80xi32, #tpu.memory_space<vmem>>
        %dma_wait3A_360 = arith.constant 0 : i32
        %dma_wait3A_361 = arith.constant 0 : i32
        %dma_wait3A_362 = tpu.memref_slice %arg12[%dma_wait3A_360, %dma_wait3A_361] : memref<10112x128xf32, #tpu.memory_space<vmem_shared>> -> memref<10112x128xf32, #tpu.memory_space<vmem_shared>>
        tpu.wait_indirect_dma semaphore(%arg28 : memref<!tpu.dma_semaphore, #tpu.memory_space<semaphore_mem>>) src(%dma_wait3A_356 : memref<80x128xf32, #tpu.memory_space<vmem>>) dst(%dma_wait3A_362 : memref<10112x128xf32, #tpu.memory_space<vmem_shared>>)
      } else {
      }
      %add3A_185 = arith.constant 2 : i32
      %add3A_186 = arith.addi %add3A_179, %add3A_185 : i32
      %lt3A_187 = arith.constant 128 : i32
      %lt3A_188 = arith.cmpi slt, %add3A_186, %lt3A_187 : i32
      %convert_element_type3A_189 = arith.extui %lt3A_188 : i1 to i32
      %cond3A_190 = arith.constant 0 : i32
      %cond3A_191 = arith.cmpi ne, %convert_element_type3A_189, %cond3A_190 : i32
      scf.if %cond3A_191 {
        %add3A_350 = arith.constant 2 : i32
        %add3A_351 = arith.addi %add3A_179, %add3A_350 : i32
        %dma_start3A_352 = arith.constant 3 : i32
        %dma_start3A_353 = arith.constant 0 : i32
        %dma_start3A_354 = tpu.memref_slice %arg9[%dma_start3A_352, %dma_start3A_353] : memref<4x80xi32, #tpu.memory_space<vmem>> -> memref<1x80xi32, #tpu.memory_space<vmem>>
        %dma_start3A_355 = tpu.memref_squeeze %dma_start3A_354 : memref<1x80xi32, #tpu.memory_space<vmem>> -> memref<80xi32, #tpu.memory_space<vmem>>
        %dma_start3A_356 = arith.constant 0 : i32
        %dma_start3A_357 = tpu.memref_slice %arg4[%arg1, %add3A_351, %dma_start3A_356] : memref<16x128x80xi32, #tpu.memory_space<hbm>> -> memref<1x1x80xi32, #tpu.memory_space<hbm>>
        %dma_start3A_358 = tpu.memref_squeeze %dma_start3A_357 : memref<1x1x80xi32, #tpu.memory_space<hbm>> -> memref<80xi32, #tpu.memory_space<hbm>>
        %dma_start3A_359 = arith.constant 0 : i32
        %dma_start3A_360 = tpu.memref_slice %arg9[%dma_start3A_352, %dma_start3A_359] : memref<4x80xi32, #tpu.memory_space<vmem>> -> memref<1x80xi32, #tpu.memory_space<vmem>>
        %dma_start3A_361 = tpu.memref_squeeze %dma_start3A_360 : memref<1x80xi32, #tpu.memory_space<vmem>> -> memref<80xi32, #tpu.memory_space<vmem>>
        %dma_start3A_362 = arith.constant 0 : i32
        %dma_start3A_363 = tpu.memref_slice %arg4[%arg1, %add3A_351, %dma_start3A_362] : memref<16x128x80xi32, #tpu.memory_space<hbm>> -> memref<1x1x80xi32, #tpu.memory_space<hbm>>
        %dma_start3A_364 = tpu.memref_squeeze %dma_start3A_363 : memref<1x1x80xi32, #tpu.memory_space<hbm>> -> memref<80xi32, #tpu.memory_space<hbm>>
        tpu.enqueue_dma source(%dma_start3A_364 : memref<80xi32, #tpu.memory_space<hbm>>) target(%dma_start3A_361 : memref<80xi32, #tpu.memory_space<vmem>>) target_semaphore(%arg16 : memref<!tpu.dma_semaphore, #tpu.memory_space<semaphore_mem>>)
        %dma_start3A_365 = arith.constant 3 : i32
        %dma_start3A_366 = arith.constant 0 : i32
        %dma_start3A_367 = tpu.memref_slice %arg10[%dma_start3A_365, %dma_start3A_366] : memref<4x80xi32, #tpu.memory_space<vmem>> -> memref<1x80xi32, #tpu.memory_space<vmem>>
        %dma_start3A_368 = tpu.memref_squeeze %dma_start3A_367 : memref<1x80xi32, #tpu.memory_space<vmem>> -> memref<80xi32, #tpu.memory_space<vmem>>
        %dma_start3A_369 = arith.constant 0 : i32
        %dma_start3A_370 = tpu.memref_slice %arg5[%arg1, %add3A_351, %dma_start3A_369] : memref<16x128x80xi32, #tpu.memory_space<hbm>> -> memref<1x1x80xi32, #tpu.memory_space<hbm>>
        %dma_start3A_371 = tpu.memref_squeeze %dma_start3A_370 : memref<1x1x80xi32, #tpu.memory_space<hbm>> -> memref<80xi32, #tpu.memory_space<hbm>>
        %dma_start3A_372 = arith.constant 0 : i32
        %dma_start3A_373 = tpu.memref_slice %arg10[%dma_start3A_365, %dma_start3A_372] : memref<4x80xi32, #tpu.memory_space<vmem>> -> memref<1x80xi32, #tpu.memory_space<vmem>>
        %dma_start3A_374 = tpu.memref_squeeze %dma_start3A_373 : memref<1x80xi32, #tpu.memory_space<vmem>> -> memref<80xi32, #tpu.memory_space<vmem>>
        %dma_start3A_375 = arith.constant 0 : i32
        %dma_start3A_376 = tpu.memref_slice %arg5[%arg1, %add3A_351, %dma_start3A_375] : memref<16x128x80xi32, #tpu.memory_space<hbm>> -> memref<1x1x80xi32, #tpu.memory_space<hbm>>
        %dma_start3A_377 = tpu.memref_squeeze %dma_start3A_376 : memref<1x1x80xi32, #tpu.memory_space<hbm>> -> memref<80xi32, #tpu.memory_space<hbm>>
        tpu.enqueue_dma source(%dma_start3A_377 : memref<80xi32, #tpu.memory_space<hbm>>) target(%dma_start3A_374 : memref<80xi32, #tpu.memory_space<vmem>>) target_semaphore(%arg20 : memref<!tpu.dma_semaphore, #tpu.memory_space<semaphore_mem>>)
      } else {
      }
      %add3A_192 = arith.constant 1 : i32
      %add3A_193 = arith.addi %add3A_179, %add3A_192 : i32
      %lt3A_194 = arith.constant 128 : i32
      %lt3A_195 = arith.cmpi slt, %add3A_193, %lt3A_194 : i32
      %convert_element_type3A_196 = arith.extui %lt3A_195 : i1 to i32
      %cond3A_197 = arith.constant 0 : i32
      %cond3A_198 = arith.cmpi ne, %convert_element_type3A_196, %cond3A_197 : i32
      scf.if %cond3A_198 {
        %add3A_350 = arith.constant 1 : i32
        %add3A_351 = arith.addi %add3A_179, %add3A_350 : i32
        %dma_wait3A_352 = arith.constant 2 : i32
        %dma_wait3A_353 = arith.constant 0 : i32
        %dma_wait3A_354 = tpu.memref_slice %arg9[%dma_wait3A_352, %dma_wait3A_353] : memref<4x80xi32, #tpu.memory_space<vmem>> -> memref<1x80xi32, #tpu.memory_space<vmem>>
        %dma_wait3A_355 = tpu.memref_squeeze %dma_wait3A_354 : memref<1x80xi32, #tpu.memory_space<vmem>> -> memref<80xi32, #tpu.memory_space<vmem>>
        %dma_wait3A_356 = arith.constant 0 : i32
        %dma_wait3A_357 = tpu.memref_slice %arg4[%arg1, %add3A_351, %dma_wait3A_356] : memref<16x128x80xi32, #tpu.memory_space<hbm>> -> memref<1x1x80xi32, #tpu.memory_space<hbm>>
        %dma_wait3A_358 = tpu.memref_squeeze %dma_wait3A_357 : memref<1x1x80xi32, #tpu.memory_space<hbm>> -> memref<80xi32, #tpu.memory_space<hbm>>
        %dma_wait3A_359 = arith.constant 0 : i32
        %dma_wait3A_360 = tpu.memref_slice %arg9[%dma_wait3A_352, %dma_wait3A_359] : memref<4x80xi32, #tpu.memory_space<vmem>> -> memref<1x80xi32, #tpu.memory_space<vmem>>
        %dma_wait3A_361 = tpu.memref_squeeze %dma_wait3A_360 : memref<1x80xi32, #tpu.memory_space<vmem>> -> memref<80xi32, #tpu.memory_space<vmem>>
        %dma_wait3A_362 = arith.constant 0 : i32
        %dma_wait3A_363 = tpu.memref_slice %arg4[%arg1, %add3A_351, %dma_wait3A_362] : memref<16x128x80xi32, #tpu.memory_space<hbm>> -> memref<1x1x80xi32, #tpu.memory_space<hbm>>
        %dma_wait3A_364 = tpu.memref_squeeze %dma_wait3A_363 : memref<1x1x80xi32, #tpu.memory_space<hbm>> -> memref<80xi32, #tpu.memory_space<hbm>>
        tpu.wait_dma2 semaphore(%arg15 : memref<!tpu.dma_semaphore, #tpu.memory_space<semaphore_mem>>) src(%dma_wait3A_364 : memref<80xi32, #tpu.memory_space<hbm>>) dst(%dma_wait3A_361 : memref<80xi32, #tpu.memory_space<vmem>>)
        %add3A_365 = arith.constant 1 : i32
        %add3A_366 = arith.addi %add3A_179, %add3A_365 : i32
        %eq3A_367 = arith.constant 0 : i32
        %eq3A_368 = arith.cmpi eq, %arg0, %eq3A_367 : i32
        %convert_element_type3A_369 = arith.extui %eq3A_368 : i1 to i32
        %cond3A_370 = arith.constant 0 : i32
        %cond3A_371 = arith.cmpi ne, %convert_element_type3A_369, %cond3A_370 : i32
        scf.if %cond3A_371 {
          %dma_start3A_377 = arith.constant 2 : i32
          %dma_start3A_378 = arith.constant 2 : i32
          %dma_start3A_379 = arith.constant 0 : i32
          %dma_start3A_380 = arith.constant 0 : i32
          %dma_start3A_381 = tpu.memref_slice %arg11[%dma_start3A_378, %dma_start3A_379, %dma_start3A_380] : memref<4x80x128xf32, #tpu.memory_space<vmem>> -> memref<1x80x128xf32, #tpu.memory_space<vmem>>
          %dma_start3A_382 = tpu.memref_squeeze %dma_start3A_381 : memref<1x80x128xf32, #tpu.memory_space<vmem>> -> memref<80x128xf32, #tpu.memory_space<vmem>>
          %dma_start3A_383 = arith.constant 0 : i32
          %dma_start3A_384 = tpu.memref_slice %arg9[%dma_start3A_377, %dma_start3A_383] : memref<4x80xi32, #tpu.memory_space<vmem>> -> memref<1x80xi32, #tpu.memory_space<vmem>>
          %dma_start3A_385 = tpu.memref_squeeze %dma_start3A_384 : memref<1x80xi32, #tpu.memory_space<vmem>> -> memref<80xi32, #tpu.memory_space<vmem>>
          %dma_start3A_386 = arith.constant 0 : i32
          %dma_start3A_387 = arith.constant 0 : i32
          %dma_start3A_388 = tpu.memref_slice %arg2[%dma_start3A_386, %dma_start3A_387] : memref<10000x128xf32, #tpu.memory_space<hbm>> -> memref<10000x128xf32, #tpu.memory_space<hbm>>
          tpu.enqueue_indirect_dma source(%dma_start3A_388 : memref<10000x128xf32, #tpu.memory_space<hbm>>) target(%dma_start3A_382 : memref<80x128xf32, #tpu.memory_space<vmem>>) offsets(%dma_start3A_385 : memref<80xi32, #tpu.memory_space<vmem>>) semaphore(%arg23 : memref<!tpu.dma_semaphore, #tpu.memory_space<semaphore_mem>>)
        } else {
        }
        %ne3A_372 = arith.constant 0 : i32
        %ne3A_373 = arith.cmpi ne, %arg0, %ne3A_372 : i32
        %convert_element_type3A_374 = arith.extui %ne3A_373 : i1 to i32
        %cond3A_375 = arith.constant 0 : i32
        %cond3A_376 = arith.cmpi ne, %convert_element_type3A_374, %cond3A_375 : i32
        scf.if %cond3A_376 {
          %dma_start3A_377 = arith.constant 2 : i32
          %dma_start3A_378 = arith.constant 2 : i32
          %dma_start3A_379 = arith.constant 0 : i32
          %dma_start3A_380 = arith.constant 0 : i32
          %dma_start3A_381 = tpu.memref_slice %arg11[%dma_start3A_378, %dma_start3A_379, %dma_start3A_380] : memref<4x80x128xf32, #tpu.memory_space<vmem>> -> memref<1x80x128xf32, #tpu.memory_space<vmem>>
          %dma_start3A_382 = tpu.memref_squeeze %dma_start3A_381 : memref<1x80x128xf32, #tpu.memory_space<vmem>> -> memref<80x128xf32, #tpu.memory_space<vmem>>
          %dma_start3A_383 = arith.constant 0 : i32
          %dma_start3A_384 = tpu.memref_slice %arg9[%dma_start3A_377, %dma_start3A_383] : memref<4x80xi32, #tpu.memory_space<vmem>> -> memref<1x80xi32, #tpu.memory_space<vmem>>
          %dma_start3A_385 = tpu.memref_squeeze %dma_start3A_384 : memref<1x80xi32, #tpu.memory_space<vmem>> -> memref<80xi32, #tpu.memory_space<vmem>>
          %dma_start3A_386 = arith.constant 0 : i32
          %dma_start3A_387 = arith.constant 0 : i32
          %dma_start3A_388 = tpu.memref_slice %arg3[%dma_start3A_386, %dma_start3A_387] : memref<10000x128xf32, #tpu.memory_space<hbm>> -> memref<10000x128xf32, #tpu.memory_space<hbm>>
          tpu.enqueue_indirect_dma source(%dma_start3A_388 : memref<10000x128xf32, #tpu.memory_space<hbm>>) target(%dma_start3A_382 : memref<80x128xf32, #tpu.memory_space<vmem>>) offsets(%dma_start3A_385 : memref<80xi32, #tpu.memory_space<vmem>>) semaphore(%arg23 : memref<!tpu.dma_semaphore, #tpu.memory_space<semaphore_mem>>)
        } else {
        }
      } else {
      }
      %eq3A_199 = arith.constant 0 : i32
      %eq3A_200 = arith.cmpi eq, %arg0, %eq3A_199 : i32
      %convert_element_type3A_201 = arith.extui %eq3A_200 : i1 to i32
      %cond3A_202 = arith.constant 0 : i32
      %cond3A_203 = arith.cmpi ne, %convert_element_type3A_201, %cond3A_202 : i32
      scf.if %cond3A_203 {
        %dma_wait3A_350 = arith.constant 1 : i32
        %dma_wait3A_351 = arith.constant 1 : i32
        %dma_wait3A_352 = arith.constant 0 : i32
        %dma_wait3A_353 = arith.constant 0 : i32
        %dma_wait3A_354 = tpu.memref_slice %arg11[%dma_wait3A_351, %dma_wait3A_352, %dma_wait3A_353] : memref<4x80x128xf32, #tpu.memory_space<vmem>> -> memref<1x80x128xf32, #tpu.memory_space<vmem>>
        %dma_wait3A_355 = tpu.memref_squeeze %dma_wait3A_354 : memref<1x80x128xf32, #tpu.memory_space<vmem>> -> memref<80x128xf32, #tpu.memory_space<vmem>>
        %dma_wait3A_356 = arith.constant 0 : i32
        %dma_wait3A_357 = tpu.memref_slice %arg9[%dma_wait3A_350, %dma_wait3A_356] : memref<4x80xi32, #tpu.memory_space<vmem>> -> memref<1x80xi32, #tpu.memory_space<vmem>>
        %dma_wait3A_358 = tpu.memref_squeeze %dma_wait3A_357 : memref<1x80xi32, #tpu.memory_space<vmem>> -> memref<80xi32, #tpu.memory_space<vmem>>
        %dma_wait3A_359 = arith.constant 0 : i32
        %dma_wait3A_360 = arith.constant 0 : i32
        %dma_wait3A_361 = tpu.memref_slice %arg2[%dma_wait3A_359, %dma_wait3A_360] : memref<10000x128xf32, #tpu.memory_space<hbm>> -> memref<10000x128xf32, #tpu.memory_space<hbm>>
        tpu.wait_indirect_dma semaphore(%arg22 : memref<!tpu.dma_semaphore, #tpu.memory_space<semaphore_mem>>) src(%dma_wait3A_361 : memref<10000x128xf32, #tpu.memory_space<hbm>>) dst(%dma_wait3A_355 : memref<80x128xf32, #tpu.memory_space<vmem>>)
      } else {
      }
      %ne3A_204 = arith.constant 0 : i32
      %ne3A_205 = arith.cmpi ne, %arg0, %ne3A_204 : i32
      %convert_element_type3A_206 = arith.extui %ne3A_205 : i1 to i32
      %cond3A_207 = arith.constant 0 : i32
      %cond3A_208 = arith.cmpi ne, %convert_element_type3A_206, %cond3A_207 : i32
      scf.if %cond3A_208 {
        %dma_wait3A_350 = arith.constant 1 : i32
        %dma_wait3A_351 = arith.constant 1 : i32
        %dma_wait3A_352 = arith.constant 0 : i32
        %dma_wait3A_353 = arith.constant 0 : i32
        %dma_wait3A_354 = tpu.memref_slice %arg11[%dma_wait3A_351, %dma_wait3A_352, %dma_wait3A_353] : memref<4x80x128xf32, #tpu.memory_space<vmem>> -> memref<1x80x128xf32, #tpu.memory_space<vmem>>
        %dma_wait3A_355 = tpu.memref_squeeze %dma_wait3A_354 : memref<1x80x128xf32, #tpu.memory_space<vmem>> -> memref<80x128xf32, #tpu.memory_space<vmem>>
        %dma_wait3A_356 = arith.constant 0 : i32
        %dma_wait3A_357 = tpu.memref_slice %arg9[%dma_wait3A_350, %dma_wait3A_356] : memref<4x80xi32, #tpu.memory_space<vmem>> -> memref<1x80xi32, #tpu.memory_space<vmem>>
        %dma_wait3A_358 = tpu.memref_squeeze %dma_wait3A_357 : memref<1x80xi32, #tpu.memory_space<vmem>> -> memref<80xi32, #tpu.memory_space<vmem>>
        %dma_wait3A_359 = arith.constant 0 : i32
        %dma_wait3A_360 = arith.constant 0 : i32
        %dma_wait3A_361 = tpu.memref_slice %arg3[%dma_wait3A_359, %dma_wait3A_360] : memref<10000x128xf32, #tpu.memory_space<hbm>> -> memref<10000x128xf32, #tpu.memory_space<hbm>>
        tpu.wait_indirect_dma semaphore(%arg22 : memref<!tpu.dma_semaphore, #tpu.memory_space<semaphore_mem>>) src(%dma_wait3A_361 : memref<10000x128xf32, #tpu.memory_space<hbm>>) dst(%dma_wait3A_355 : memref<80x128xf32, #tpu.memory_space<vmem>>)
      } else {
      }
      %dma_wait3A_209 = arith.constant 1 : i32
      %dma_wait3A_210 = arith.constant 0 : i32
      %dma_wait3A_211 = tpu.memref_slice %arg10[%dma_wait3A_209, %dma_wait3A_210] : memref<4x80xi32, #tpu.memory_space<vmem>> -> memref<1x80xi32, #tpu.memory_space<vmem>>
      %dma_wait3A_212 = tpu.memref_squeeze %dma_wait3A_211 : memref<1x80xi32, #tpu.memory_space<vmem>> -> memref<80xi32, #tpu.memory_space<vmem>>
      %dma_wait3A_213 = arith.constant 0 : i32
      %dma_wait3A_214 = tpu.memref_slice %arg5[%arg1, %add3A_179, %dma_wait3A_213] : memref<16x128x80xi32, #tpu.memory_space<hbm>> -> memref<1x1x80xi32, #tpu.memory_space<hbm>>
      %dma_wait3A_215 = tpu.memref_squeeze %dma_wait3A_214 : memref<1x1x80xi32, #tpu.memory_space<hbm>> -> memref<80xi32, #tpu.memory_space<hbm>>
      %dma_wait3A_216 = arith.constant 0 : i32
      %dma_wait3A_217 = tpu.memref_slice %arg10[%dma_wait3A_209, %dma_wait3A_216] : memref<4x80xi32, #tpu.memory_space<vmem>> -> memref<1x80xi32, #tpu.memory_space<vmem>>
      %dma_wait3A_218 = tpu.memref_squeeze %dma_wait3A_217 : memref<1x80xi32, #tpu.memory_space<vmem>> -> memref<80xi32, #tpu.memory_space<vmem>>
      %dma_wait3A_219 = arith.constant 0 : i32
      %dma_wait3A_220 = tpu.memref_slice %arg5[%arg1, %add3A_179, %dma_wait3A_219] : memref<16x128x80xi32, #tpu.memory_space<hbm>> -> memref<1x1x80xi32, #tpu.memory_space<hbm>>
      %dma_wait3A_221 = tpu.memref_squeeze %dma_wait3A_220 : memref<1x1x80xi32, #tpu.memory_space<hbm>> -> memref<80xi32, #tpu.memory_space<hbm>>
      tpu.wait_dma2 semaphore(%arg18 : memref<!tpu.dma_semaphore, #tpu.memory_space<semaphore_mem>>) src(%dma_wait3A_221 : memref<80xi32, #tpu.memory_space<hbm>>) dst(%dma_wait3A_218 : memref<80xi32, #tpu.memory_space<vmem>>)
      %dma_start3A_222 = arith.constant 1 : i32
      %dma_start3A_223 = arith.constant 1 : i32
      %dma_start3A_224 = arith.constant 0 : i32
      %dma_start3A_225 = arith.constant 0 : i32
      %dma_start3A_226 = tpu.memref_slice %arg11[%dma_start3A_222, %dma_start3A_224, %dma_start3A_225] : memref<4x80x128xf32, #tpu.memory_space<vmem>> -> memref<1x80x128xf32, #tpu.memory_space<vmem>>
      %dma_start3A_227 = tpu.memref_squeeze %dma_start3A_226 : memref<1x80x128xf32, #tpu.memory_space<vmem>> -> memref<80x128xf32, #tpu.memory_space<vmem>>
      %dma_start3A_228 = arith.constant 0 : i32
      %dma_start3A_229 = tpu.memref_slice %arg10[%dma_start3A_223, %dma_start3A_228] : memref<4x80xi32, #tpu.memory_space<vmem>> -> memref<1x80xi32, #tpu.memory_space<vmem>>
      %dma_start3A_230 = tpu.memref_squeeze %dma_start3A_229 : memref<1x80xi32, #tpu.memory_space<vmem>> -> memref<80xi32, #tpu.memory_space<vmem>>
      %dma_start3A_231 = arith.constant 0 : i32
      %dma_start3A_232 = arith.constant 0 : i32
      %dma_start3A_233 = tpu.memref_slice %arg12[%dma_start3A_231, %dma_start3A_232] : memref<10112x128xf32, #tpu.memory_space<vmem_shared>> -> memref<10112x128xf32, #tpu.memory_space<vmem_shared>>
      tpu.enqueue_indirect_dma source(%dma_start3A_227 : memref<80x128xf32, #tpu.memory_space<vmem>>) target(%dma_start3A_233 : memref<10112x128xf32, #tpu.memory_space<vmem_shared>>) offsets(%dma_start3A_230 : memref<80xi32, #tpu.memory_space<vmem>>) semaphore(%arg26 : memref<!tpu.dma_semaphore, #tpu.memory_space<semaphore_mem>>) {add = true}
      %mul3A_234 = arith.constant 4 : i32
      %mul3A_235 = arith.muli %scan3A_120, %mul3A_234 : i32
      %add3A_236 = arith.constant 2 : i32
      %add3A_237 = arith.addi %mul3A_235, %add3A_236 : i32
      %ge3A_238 = arith.constant 2 : i32
      %ge3A_239 = arith.cmpi sge, %add3A_237, %ge3A_238 : i32
      %convert_element_type3A_240 = arith.extui %ge3A_239 : i1 to i32
      %cond3A_241 = arith.constant 0 : i32
      %cond3A_242 = arith.cmpi ne, %convert_element_type3A_240, %cond3A_241 : i32
      scf.if %cond3A_242 {
        %sub3A = arith.constant 2 : i32
        %sub3A_350 = arith.subi %add3A_237, %sub3A : i32
        %dma_wait3A_351 = arith.constant 0 : i32
        %dma_wait3A_352 = arith.constant 0 : i32
        %dma_wait3A_353 = arith.constant 0 : i32
        %dma_wait3A_354 = arith.constant 0 : i32
        %dma_wait3A_355 = tpu.memref_slice %arg11[%dma_wait3A_351, %dma_wait3A_353, %dma_wait3A_354] : memref<4x80x128xf32, #tpu.memory_space<vmem>> -> memref<1x80x128xf32, #tpu.memory_space<vmem>>
        %dma_wait3A_356 = tpu.memref_squeeze %dma_wait3A_355 : memref<1x80x128xf32, #tpu.memory_space<vmem>> -> memref<80x128xf32, #tpu.memory_space<vmem>>
        %dma_wait3A_357 = arith.constant 0 : i32
        %dma_wait3A_358 = tpu.memref_slice %arg10[%dma_wait3A_352, %dma_wait3A_357] : memref<4x80xi32, #tpu.memory_space<vmem>> -> memref<1x80xi32, #tpu.memory_space<vmem>>
        %dma_wait3A_359 = tpu.memref_squeeze %dma_wait3A_358 : memref<1x80xi32, #tpu.memory_space<vmem>> -> memref<80xi32, #tpu.memory_space<vmem>>
        %dma_wait3A_360 = arith.constant 0 : i32
        %dma_wait3A_361 = arith.constant 0 : i32
        %dma_wait3A_362 = tpu.memref_slice %arg12[%dma_wait3A_360, %dma_wait3A_361] : memref<10112x128xf32, #tpu.memory_space<vmem_shared>> -> memref<10112x128xf32, #tpu.memory_space<vmem_shared>>
        tpu.wait_indirect_dma semaphore(%arg25 : memref<!tpu.dma_semaphore, #tpu.memory_space<semaphore_mem>>) src(%dma_wait3A_356 : memref<80x128xf32, #tpu.memory_space<vmem>>) dst(%dma_wait3A_362 : memref<10112x128xf32, #tpu.memory_space<vmem_shared>>)
      } else {
      }
      %add3A_243 = arith.constant 2 : i32
      %add3A_244 = arith.addi %add3A_237, %add3A_243 : i32
      %lt3A_245 = arith.constant 128 : i32
      %lt3A_246 = arith.cmpi slt, %add3A_244, %lt3A_245 : i32
      %convert_element_type3A_247 = arith.extui %lt3A_246 : i1 to i32
      %cond3A_248 = arith.constant 0 : i32
      %cond3A_249 = arith.cmpi ne, %convert_element_type3A_247, %cond3A_248 : i32
      scf.if %cond3A_249 {
        %add3A_350 = arith.constant 2 : i32
        %add3A_351 = arith.addi %add3A_237, %add3A_350 : i32
        %dma_start3A_352 = arith.constant 0 : i32
        %dma_start3A_353 = arith.constant 0 : i32
        %dma_start3A_354 = tpu.memref_slice %arg9[%dma_start3A_352, %dma_start3A_353] : memref<4x80xi32, #tpu.memory_space<vmem>> -> memref<1x80xi32, #tpu.memory_space<vmem>>
        %dma_start3A_355 = tpu.memref_squeeze %dma_start3A_354 : memref<1x80xi32, #tpu.memory_space<vmem>> -> memref<80xi32, #tpu.memory_space<vmem>>
        %dma_start3A_356 = arith.constant 0 : i32
        %dma_start3A_357 = tpu.memref_slice %arg4[%arg1, %add3A_351, %dma_start3A_356] : memref<16x128x80xi32, #tpu.memory_space<hbm>> -> memref<1x1x80xi32, #tpu.memory_space<hbm>>
        %dma_start3A_358 = tpu.memref_squeeze %dma_start3A_357 : memref<1x1x80xi32, #tpu.memory_space<hbm>> -> memref<80xi32, #tpu.memory_space<hbm>>
        %dma_start3A_359 = arith.constant 0 : i32
        %dma_start3A_360 = tpu.memref_slice %arg9[%dma_start3A_352, %dma_start3A_359] : memref<4x80xi32, #tpu.memory_space<vmem>> -> memref<1x80xi32, #tpu.memory_space<vmem>>
        %dma_start3A_361 = tpu.memref_squeeze %dma_start3A_360 : memref<1x80xi32, #tpu.memory_space<vmem>> -> memref<80xi32, #tpu.memory_space<vmem>>
        %dma_start3A_362 = arith.constant 0 : i32
        %dma_start3A_363 = tpu.memref_slice %arg4[%arg1, %add3A_351, %dma_start3A_362] : memref<16x128x80xi32, #tpu.memory_space<hbm>> -> memref<1x1x80xi32, #tpu.memory_space<hbm>>
        %dma_start3A_364 = tpu.memref_squeeze %dma_start3A_363 : memref<1x1x80xi32, #tpu.memory_space<hbm>> -> memref<80xi32, #tpu.memory_space<hbm>>
        tpu.enqueue_dma source(%dma_start3A_364 : memref<80xi32, #tpu.memory_space<hbm>>) target(%dma_start3A_361 : memref<80xi32, #tpu.memory_space<vmem>>) target_semaphore(%arg13 : memref<!tpu.dma_semaphore, #tpu.memory_space<semaphore_mem>>)
        %dma_start3A_365 = arith.constant 0 : i32
        %dma_start3A_366 = arith.constant 0 : i32
        %dma_start3A_367 = tpu.memref_slice %arg10[%dma_start3A_365, %dma_start3A_366] : memref<4x80xi32, #tpu.memory_space<vmem>> -> memref<1x80xi32, #tpu.memory_space<vmem>>
        %dma_start3A_368 = tpu.memref_squeeze %dma_start3A_367 : memref<1x80xi32, #tpu.memory_space<vmem>> -> memref<80xi32, #tpu.memory_space<vmem>>
        %dma_start3A_369 = arith.constant 0 : i32
        %dma_start3A_370 = tpu.memref_slice %arg5[%arg1, %add3A_351, %dma_start3A_369] : memref<16x128x80xi32, #tpu.memory_space<hbm>> -> memref<1x1x80xi32, #tpu.memory_space<hbm>>
        %dma_start3A_371 = tpu.memref_squeeze %dma_start3A_370 : memref<1x1x80xi32, #tpu.memory_space<hbm>> -> memref<80xi32, #tpu.memory_space<hbm>>
        %dma_start3A_372 = arith.constant 0 : i32
        %dma_start3A_373 = tpu.memref_slice %arg10[%dma_start3A_365, %dma_start3A_372] : memref<4x80xi32, #tpu.memory_space<vmem>> -> memref<1x80xi32, #tpu.memory_space<vmem>>
        %dma_start3A_374 = tpu.memref_squeeze %dma_start3A_373 : memref<1x80xi32, #tpu.memory_space<vmem>> -> memref<80xi32, #tpu.memory_space<vmem>>
        %dma_start3A_375 = arith.constant 0 : i32
        %dma_start3A_376 = tpu.memref_slice %arg5[%arg1, %add3A_351, %dma_start3A_375] : memref<16x128x80xi32, #tpu.memory_space<hbm>> -> memref<1x1x80xi32, #tpu.memory_space<hbm>>
        %dma_start3A_377 = tpu.memref_squeeze %dma_start3A_376 : memref<1x1x80xi32, #tpu.memory_space<hbm>> -> memref<80xi32, #tpu.memory_space<hbm>>
        tpu.enqueue_dma source(%dma_start3A_377 : memref<80xi32, #tpu.memory_space<hbm>>) target(%dma_start3A_374 : memref<80xi32, #tpu.memory_space<vmem>>) target_semaphore(%arg17 : memref<!tpu.dma_semaphore, #tpu.memory_space<semaphore_mem>>)
      } else {
      }
      %add3A_250 = arith.constant 1 : i32
      %add3A_251 = arith.addi %add3A_237, %add3A_250 : i32
      %lt3A_252 = arith.constant 128 : i32
      %lt3A_253 = arith.cmpi slt, %add3A_251, %lt3A_252 : i32
      %convert_element_type3A_254 = arith.extui %lt3A_253 : i1 to i32
      %cond3A_255 = arith.constant 0 : i32
      %cond3A_256 = arith.cmpi ne, %convert_element_type3A_254, %cond3A_255 : i32
      scf.if %cond3A_256 {
        %add3A_350 = arith.constant 1 : i32
        %add3A_351 = arith.addi %add3A_237, %add3A_350 : i32
        %dma_wait3A_352 = arith.constant 3 : i32
        %dma_wait3A_353 = arith.constant 0 : i32
        %dma_wait3A_354 = tpu.memref_slice %arg9[%dma_wait3A_352, %dma_wait3A_353] : memref<4x80xi32, #tpu.memory_space<vmem>> -> memref<1x80xi32, #tpu.memory_space<vmem>>
        %dma_wait3A_355 = tpu.memref_squeeze %dma_wait3A_354 : memref<1x80xi32, #tpu.memory_space<vmem>> -> memref<80xi32, #tpu.memory_space<vmem>>
        %dma_wait3A_356 = arith.constant 0 : i32
        %dma_wait3A_357 = tpu.memref_slice %arg4[%arg1, %add3A_351, %dma_wait3A_356] : memref<16x128x80xi32, #tpu.memory_space<hbm>> -> memref<1x1x80xi32, #tpu.memory_space<hbm>>
        %dma_wait3A_358 = tpu.memref_squeeze %dma_wait3A_357 : memref<1x1x80xi32, #tpu.memory_space<hbm>> -> memref<80xi32, #tpu.memory_space<hbm>>
        %dma_wait3A_359 = arith.constant 0 : i32
        %dma_wait3A_360 = tpu.memref_slice %arg9[%dma_wait3A_352, %dma_wait3A_359] : memref<4x80xi32, #tpu.memory_space<vmem>> -> memref<1x80xi32, #tpu.memory_space<vmem>>
        %dma_wait3A_361 = tpu.memref_squeeze %dma_wait3A_360 : memref<1x80xi32, #tpu.memory_space<vmem>> -> memref<80xi32, #tpu.memory_space<vmem>>
        %dma_wait3A_362 = arith.constant 0 : i32
        %dma_wait3A_363 = tpu.memref_slice %arg4[%arg1, %add3A_351, %dma_wait3A_362] : memref<16x128x80xi32, #tpu.memory_space<hbm>> -> memref<1x1x80xi32, #tpu.memory_space<hbm>>
        %dma_wait3A_364 = tpu.memref_squeeze %dma_wait3A_363 : memref<1x1x80xi32, #tpu.memory_space<hbm>> -> memref<80xi32, #tpu.memory_space<hbm>>
        tpu.wait_dma2 semaphore(%arg16 : memref<!tpu.dma_semaphore, #tpu.memory_space<semaphore_mem>>) src(%dma_wait3A_364 : memref<80xi32, #tpu.memory_space<hbm>>) dst(%dma_wait3A_361 : memref<80xi32, #tpu.memory_space<vmem>>)
        %add3A_365 = arith.constant 1 : i32
        %add3A_366 = arith.addi %add3A_237, %add3A_365 : i32
        %eq3A_367 = arith.constant 0 : i32
        %eq3A_368 = arith.cmpi eq, %arg0, %eq3A_367 : i32
        %convert_element_type3A_369 = arith.extui %eq3A_368 : i1 to i32
        %cond3A_370 = arith.constant 0 : i32
        %cond3A_371 = arith.cmpi ne, %convert_element_type3A_369, %cond3A_370 : i32
        scf.if %cond3A_371 {
          %dma_start3A_377 = arith.constant 3 : i32
          %dma_start3A_378 = arith.constant 3 : i32
          %dma_start3A_379 = arith.constant 0 : i32
          %dma_start3A_380 = arith.constant 0 : i32
          %dma_start3A_381 = tpu.memref_slice %arg11[%dma_start3A_378, %dma_start3A_379, %dma_start3A_380] : memref<4x80x128xf32, #tpu.memory_space<vmem>> -> memref<1x80x128xf32, #tpu.memory_space<vmem>>
          %dma_start3A_382 = tpu.memref_squeeze %dma_start3A_381 : memref<1x80x128xf32, #tpu.memory_space<vmem>> -> memref<80x128xf32, #tpu.memory_space<vmem>>
          %dma_start3A_383 = arith.constant 0 : i32
          %dma_start3A_384 = tpu.memref_slice %arg9[%dma_start3A_377, %dma_start3A_383] : memref<4x80xi32, #tpu.memory_space<vmem>> -> memref<1x80xi32, #tpu.memory_space<vmem>>
          %dma_start3A_385 = tpu.memref_squeeze %dma_start3A_384 : memref<1x80xi32, #tpu.memory_space<vmem>> -> memref<80xi32, #tpu.memory_space<vmem>>
          %dma_start3A_386 = arith.constant 0 : i32
          %dma_start3A_387 = arith.constant 0 : i32
          %dma_start3A_388 = tpu.memref_slice %arg2[%dma_start3A_386, %dma_start3A_387] : memref<10000x128xf32, #tpu.memory_space<hbm>> -> memref<10000x128xf32, #tpu.memory_space<hbm>>
          tpu.enqueue_indirect_dma source(%dma_start3A_388 : memref<10000x128xf32, #tpu.memory_space<hbm>>) target(%dma_start3A_382 : memref<80x128xf32, #tpu.memory_space<vmem>>) offsets(%dma_start3A_385 : memref<80xi32, #tpu.memory_space<vmem>>) semaphore(%arg24 : memref<!tpu.dma_semaphore, #tpu.memory_space<semaphore_mem>>)
        } else {
        }
        %ne3A_372 = arith.constant 0 : i32
        %ne3A_373 = arith.cmpi ne, %arg0, %ne3A_372 : i32
        %convert_element_type3A_374 = arith.extui %ne3A_373 : i1 to i32
        %cond3A_375 = arith.constant 0 : i32
        %cond3A_376 = arith.cmpi ne, %convert_element_type3A_374, %cond3A_375 : i32
        scf.if %cond3A_376 {
          %dma_start3A_377 = arith.constant 3 : i32
          %dma_start3A_378 = arith.constant 3 : i32
          %dma_start3A_379 = arith.constant 0 : i32
          %dma_start3A_380 = arith.constant 0 : i32
          %dma_start3A_381 = tpu.memref_slice %arg11[%dma_start3A_378, %dma_start3A_379, %dma_start3A_380] : memref<4x80x128xf32, #tpu.memory_space<vmem>> -> memref<1x80x128xf32, #tpu.memory_space<vmem>>
          %dma_start3A_382 = tpu.memref_squeeze %dma_start3A_381 : memref<1x80x128xf32, #tpu.memory_space<vmem>> -> memref<80x128xf32, #tpu.memory_space<vmem>>
          %dma_start3A_383 = arith.constant 0 : i32
          %dma_start3A_384 = tpu.memref_slice %arg9[%dma_start3A_377, %dma_start3A_383] : memref<4x80xi32, #tpu.memory_space<vmem>> -> memref<1x80xi32, #tpu.memory_space<vmem>>
          %dma_start3A_385 = tpu.memref_squeeze %dma_start3A_384 : memref<1x80xi32, #tpu.memory_space<vmem>> -> memref<80xi32, #tpu.memory_space<vmem>>
          %dma_start3A_386 = arith.constant 0 : i32
          %dma_start3A_387 = arith.constant 0 : i32
          %dma_start3A_388 = tpu.memref_slice %arg3[%dma_start3A_386, %dma_start3A_387] : memref<10000x128xf32, #tpu.memory_space<hbm>> -> memref<10000x128xf32, #tpu.memory_space<hbm>>
          tpu.enqueue_indirect_dma source(%dma_start3A_388 : memref<10000x128xf32, #tpu.memory_space<hbm>>) target(%dma_start3A_382 : memref<80x128xf32, #tpu.memory_space<vmem>>) offsets(%dma_start3A_385 : memref<80xi32, #tpu.memory_space<vmem>>) semaphore(%arg24 : memref<!tpu.dma_semaphore, #tpu.memory_space<semaphore_mem>>)
        } else {
        }
      } else {
      }
      %eq3A_257 = arith.constant 0 : i32
      %eq3A_258 = arith.cmpi eq, %arg0, %eq3A_257 : i32
      %convert_element_type3A_259 = arith.extui %eq3A_258 : i1 to i32
      %cond3A_260 = arith.constant 0 : i32
      %cond3A_261 = arith.cmpi ne, %convert_element_type3A_259, %cond3A_260 : i32
      scf.if %cond3A_261 {
        %dma_wait3A_350 = arith.constant 2 : i32
        %dma_wait3A_351 = arith.constant 2 : i32
        %dma_wait3A_352 = arith.constant 0 : i32
        %dma_wait3A_353 = arith.constant 0 : i32
        %dma_wait3A_354 = tpu.memref_slice %arg11[%dma_wait3A_351, %dma_wait3A_352, %dma_wait3A_353] : memref<4x80x128xf32, #tpu.memory_space<vmem>> -> memref<1x80x128xf32, #tpu.memory_space<vmem>>
        %dma_wait3A_355 = tpu.memref_squeeze %dma_wait3A_354 : memref<1x80x128xf32, #tpu.memory_space<vmem>> -> memref<80x128xf32, #tpu.memory_space<vmem>>
        %dma_wait3A_356 = arith.constant 0 : i32
        %dma_wait3A_357 = tpu.memref_slice %arg9[%dma_wait3A_350, %dma_wait3A_356] : memref<4x80xi32, #tpu.memory_space<vmem>> -> memref<1x80xi32, #tpu.memory_space<vmem>>
        %dma_wait3A_358 = tpu.memref_squeeze %dma_wait3A_357 : memref<1x80xi32, #tpu.memory_space<vmem>> -> memref<80xi32, #tpu.memory_space<vmem>>
        %dma_wait3A_359 = arith.constant 0 : i32
        %dma_wait3A_360 = arith.constant 0 : i32
        %dma_wait3A_361 = tpu.memref_slice %arg2[%dma_wait3A_359, %dma_wait3A_360] : memref<10000x128xf32, #tpu.memory_space<hbm>> -> memref<10000x128xf32, #tpu.memory_space<hbm>>
        tpu.wait_indirect_dma semaphore(%arg23 : memref<!tpu.dma_semaphore, #tpu.memory_space<semaphore_mem>>) src(%dma_wait3A_361 : memref<10000x128xf32, #tpu.memory_space<hbm>>) dst(%dma_wait3A_355 : memref<80x128xf32, #tpu.memory_space<vmem>>)
      } else {
      }
      %ne3A_262 = arith.constant 0 : i32
      %ne3A_263 = arith.cmpi ne, %arg0, %ne3A_262 : i32
      %convert_element_type3A_264 = arith.extui %ne3A_263 : i1 to i32
      %cond3A_265 = arith.constant 0 : i32
      %cond3A_266 = arith.cmpi ne, %convert_element_type3A_264, %cond3A_265 : i32
      scf.if %cond3A_266 {
        %dma_wait3A_350 = arith.constant 2 : i32
        %dma_wait3A_351 = arith.constant 2 : i32
        %dma_wait3A_352 = arith.constant 0 : i32
        %dma_wait3A_353 = arith.constant 0 : i32
        %dma_wait3A_354 = tpu.memref_slice %arg11[%dma_wait3A_351, %dma_wait3A_352, %dma_wait3A_353] : memref<4x80x128xf32, #tpu.memory_space<vmem>> -> memref<1x80x128xf32, #tpu.memory_space<vmem>>
        %dma_wait3A_355 = tpu.memref_squeeze %dma_wait3A_354 : memref<1x80x128xf32, #tpu.memory_space<vmem>> -> memref<80x128xf32, #tpu.memory_space<vmem>>
        %dma_wait3A_356 = arith.constant 0 : i32
        %dma_wait3A_357 = tpu.memref_slice %arg9[%dma_wait3A_350, %dma_wait3A_356] : memref<4x80xi32, #tpu.memory_space<vmem>> -> memref<1x80xi32, #tpu.memory_space<vmem>>
        %dma_wait3A_358 = tpu.memref_squeeze %dma_wait3A_357 : memref<1x80xi32, #tpu.memory_space<vmem>> -> memref<80xi32, #tpu.memory_space<vmem>>
        %dma_wait3A_359 = arith.constant 0 : i32
        %dma_wait3A_360 = arith.constant 0 : i32
        %dma_wait3A_361 = tpu.memref_slice %arg3[%dma_wait3A_359, %dma_wait3A_360] : memref<10000x128xf32, #tpu.memory_space<hbm>> -> memref<10000x128xf32, #tpu.memory_space<hbm>>
        tpu.wait_indirect_dma semaphore(%arg23 : memref<!tpu.dma_semaphore, #tpu.memory_space<semaphore_mem>>) src(%dma_wait3A_361 : memref<10000x128xf32, #tpu.memory_space<hbm>>) dst(%dma_wait3A_355 : memref<80x128xf32, #tpu.memory_space<vmem>>)
      } else {
      }
      %dma_wait3A_267 = arith.constant 2 : i32
      %dma_wait3A_268 = arith.constant 0 : i32
      %dma_wait3A_269 = tpu.memref_slice %arg10[%dma_wait3A_267, %dma_wait3A_268] : memref<4x80xi32, #tpu.memory_space<vmem>> -> memref<1x80xi32, #tpu.memory_space<vmem>>
      %dma_wait3A_270 = tpu.memref_squeeze %dma_wait3A_269 : memref<1x80xi32, #tpu.memory_space<vmem>> -> memref<80xi32, #tpu.memory_space<vmem>>
      %dma_wait3A_271 = arith.constant 0 : i32
      %dma_wait3A_272 = tpu.memref_slice %arg5[%arg1, %add3A_237, %dma_wait3A_271] : memref<16x128x80xi32, #tpu.memory_space<hbm>> -> memref<1x1x80xi32, #tpu.memory_space<hbm>>
      %dma_wait3A_273 = tpu.memref_squeeze %dma_wait3A_272 : memref<1x1x80xi32, #tpu.memory_space<hbm>> -> memref<80xi32, #tpu.memory_space<hbm>>
      %dma_wait3A_274 = arith.constant 0 : i32
      %dma_wait3A_275 = tpu.memref_slice %arg10[%dma_wait3A_267, %dma_wait3A_274] : memref<4x80xi32, #tpu.memory_space<vmem>> -> memref<1x80xi32, #tpu.memory_space<vmem>>
      %dma_wait3A_276 = tpu.memref_squeeze %dma_wait3A_275 : memref<1x80xi32, #tpu.memory_space<vmem>> -> memref<80xi32, #tpu.memory_space<vmem>>
      %dma_wait3A_277 = arith.constant 0 : i32
      %dma_wait3A_278 = tpu.memref_slice %arg5[%arg1, %add3A_237, %dma_wait3A_277] : memref<16x128x80xi32, #tpu.memory_space<hbm>> -> memref<1x1x80xi32, #tpu.memory_space<hbm>>
      %dma_wait3A_279 = tpu.memref_squeeze %dma_wait3A_278 : memref<1x1x80xi32, #tpu.memory_space<hbm>> -> memref<80xi32, #tpu.memory_space<hbm>>
      tpu.wait_dma2 semaphore(%arg19 : memref<!tpu.dma_semaphore, #tpu.memory_space<semaphore_mem>>) src(%dma_wait3A_279 : memref<80xi32, #tpu.memory_space<hbm>>) dst(%dma_wait3A_276 : memref<80xi32, #tpu.memory_space<vmem>>)
      %dma_start3A_280 = arith.constant 2 : i32
      %dma_start3A_281 = arith.constant 2 : i32
      %dma_start3A_282 = arith.constant 0 : i32
      %dma_start3A_283 = arith.constant 0 : i32
      %dma_start3A_284 = tpu.memref_slice %arg11[%dma_start3A_280, %dma_start3A_282, %dma_start3A_283] : memref<4x80x128xf32, #tpu.memory_space<vmem>> -> memref<1x80x128xf32, #tpu.memory_space<vmem>>
      %dma_start3A_285 = tpu.memref_squeeze %dma_start3A_284 : memref<1x80x128xf32, #tpu.memory_space<vmem>> -> memref<80x128xf32, #tpu.memory_space<vmem>>
      %dma_start3A_286 = arith.constant 0 : i32
      %dma_start3A_287 = tpu.memref_slice %arg10[%dma_start3A_281, %dma_start3A_286] : memref<4x80xi32, #tpu.memory_space<vmem>> -> memref<1x80xi32, #tpu.memory_space<vmem>>
      %dma_start3A_288 = tpu.memref_squeeze %dma_start3A_287 : memref<1x80xi32, #tpu.memory_space<vmem>> -> memref<80xi32, #tpu.memory_space<vmem>>
      %dma_start3A_289 = arith.constant 0 : i32
      %dma_start3A_290 = arith.constant 0 : i32
      %dma_start3A_291 = tpu.memref_slice %arg12[%dma_start3A_289, %dma_start3A_290] : memref<10112x128xf32, #tpu.memory_space<vmem_shared>> -> memref<10112x128xf32, #tpu.memory_space<vmem_shared>>
      tpu.enqueue_indirect_dma source(%dma_start3A_285 : memref<80x128xf32, #tpu.memory_space<vmem>>) target(%dma_start3A_291 : memref<10112x128xf32, #tpu.memory_space<vmem_shared>>) offsets(%dma_start3A_288 : memref<80xi32, #tpu.memory_space<vmem>>) semaphore(%arg27 : memref<!tpu.dma_semaphore, #tpu.memory_space<semaphore_mem>>) {add = true}
      %mul3A_292 = arith.constant 4 : i32
      %mul3A_293 = arith.muli %scan3A_120, %mul3A_292 : i32
      %add3A_294 = arith.constant 3 : i32
      %add3A_295 = arith.addi %mul3A_293, %add3A_294 : i32
      %ge3A_296 = arith.constant 2 : i32
      %ge3A_297 = arith.cmpi sge, %add3A_295, %ge3A_296 : i32
      %convert_element_type3A_298 = arith.extui %ge3A_297 : i1 to i32
      %cond3A_299 = arith.constant 0 : i32
      %cond3A_300 = arith.cmpi ne, %convert_element_type3A_298, %cond3A_299 : i32
      scf.if %cond3A_300 {
        %sub3A = arith.constant 2 : i32
        %sub3A_350 = arith.subi %add3A_295, %sub3A : i32
        %dma_wait3A_351 = arith.constant 1 : i32
        %dma_wait3A_352 = arith.constant 1 : i32
        %dma_wait3A_353 = arith.constant 0 : i32
        %dma_wait3A_354 = arith.constant 0 : i32
        %dma_wait3A_355 = tpu.memref_slice %arg11[%dma_wait3A_351, %dma_wait3A_353, %dma_wait3A_354] : memref<4x80x128xf32, #tpu.memory_space<vmem>> -> memref<1x80x128xf32, #tpu.memory_space<vmem>>
        %dma_wait3A_356 = tpu.memref_squeeze %dma_wait3A_355 : memref<1x80x128xf32, #tpu.memory_space<vmem>> -> memref<80x128xf32, #tpu.memory_space<vmem>>
        %dma_wait3A_357 = arith.constant 0 : i32
        %dma_wait3A_358 = tpu.memref_slice %arg10[%dma_wait3A_352, %dma_wait3A_357] : memref<4x80xi32, #tpu.memory_space<vmem>> -> memref<1x80xi32, #tpu.memory_space<vmem>>
        %dma_wait3A_359 = tpu.memref_squeeze %dma_wait3A_358 : memref<1x80xi32, #tpu.memory_space<vmem>> -> memref<80xi32, #tpu.memory_space<vmem>>
        %dma_wait3A_360 = arith.constant 0 : i32
        %dma_wait3A_361 = arith.constant 0 : i32
        %dma_wait3A_362 = tpu.memref_slice %arg12[%dma_wait3A_360, %dma_wait3A_361] : memref<10112x128xf32, #tpu.memory_space<vmem_shared>> -> memref<10112x128xf32, #tpu.memory_space<vmem_shared>>
        tpu.wait_indirect_dma semaphore(%arg26 : memref<!tpu.dma_semaphore, #tpu.memory_space<semaphore_mem>>) src(%dma_wait3A_356 : memref<80x128xf32, #tpu.memory_space<vmem>>) dst(%dma_wait3A_362 : memref<10112x128xf32, #tpu.memory_space<vmem_shared>>)
      } else {
      }
      %add3A_301 = arith.constant 2 : i32
      %add3A_302 = arith.addi %add3A_295, %add3A_301 : i32
      %lt3A_303 = arith.constant 128 : i32
      %lt3A_304 = arith.cmpi slt, %add3A_302, %lt3A_303 : i32
      %convert_element_type3A_305 = arith.extui %lt3A_304 : i1 to i32
      %cond3A_306 = arith.constant 0 : i32
      %cond3A_307 = arith.cmpi ne, %convert_element_type3A_305, %cond3A_306 : i32
      scf.if %cond3A_307 {
        %add3A_350 = arith.constant 2 : i32
        %add3A_351 = arith.addi %add3A_295, %add3A_350 : i32
        %dma_start3A_352 = arith.constant 1 : i32
        %dma_start3A_353 = arith.constant 0 : i32
        %dma_start3A_354 = tpu.memref_slice %arg9[%dma_start3A_352, %dma_start3A_353] : memref<4x80xi32, #tpu.memory_space<vmem>> -> memref<1x80xi32, #tpu.memory_space<vmem>>
        %dma_start3A_355 = tpu.memref_squeeze %dma_start3A_354 : memref<1x80xi32, #tpu.memory_space<vmem>> -> memref<80xi32, #tpu.memory_space<vmem>>
        %dma_start3A_356 = arith.constant 0 : i32
        %dma_start3A_357 = tpu.memref_slice %arg4[%arg1, %add3A_351, %dma_start3A_356] : memref<16x128x80xi32, #tpu.memory_space<hbm>> -> memref<1x1x80xi32, #tpu.memory_space<hbm>>
        %dma_start3A_358 = tpu.memref_squeeze %dma_start3A_357 : memref<1x1x80xi32, #tpu.memory_space<hbm>> -> memref<80xi32, #tpu.memory_space<hbm>>
        %dma_start3A_359 = arith.constant 0 : i32
        %dma_start3A_360 = tpu.memref_slice %arg9[%dma_start3A_352, %dma_start3A_359] : memref<4x80xi32, #tpu.memory_space<vmem>> -> memref<1x80xi32, #tpu.memory_space<vmem>>
        %dma_start3A_361 = tpu.memref_squeeze %dma_start3A_360 : memref<1x80xi32, #tpu.memory_space<vmem>> -> memref<80xi32, #tpu.memory_space<vmem>>
        %dma_start3A_362 = arith.constant 0 : i32
        %dma_start3A_363 = tpu.memref_slice %arg4[%arg1, %add3A_351, %dma_start3A_362] : memref<16x128x80xi32, #tpu.memory_space<hbm>> -> memref<1x1x80xi32, #tpu.memory_space<hbm>>
        %dma_start3A_364 = tpu.memref_squeeze %dma_start3A_363 : memref<1x1x80xi32, #tpu.memory_space<hbm>> -> memref<80xi32, #tpu.memory_space<hbm>>
        tpu.enqueue_dma source(%dma_start3A_364 : memref<80xi32, #tpu.memory_space<hbm>>) target(%dma_start3A_361 : memref<80xi32, #tpu.memory_space<vmem>>) target_semaphore(%arg14 : memref<!tpu.dma_semaphore, #tpu.memory_space<semaphore_mem>>)
        %dma_start3A_365 = arith.constant 1 : i32
        %dma_start3A_366 = arith.constant 0 : i32
        %dma_start3A_367 = tpu.memref_slice %arg10[%dma_start3A_365, %dma_start3A_366] : memref<4x80xi32, #tpu.memory_space<vmem>> -> memref<1x80xi32, #tpu.memory_space<vmem>>
        %dma_start3A_368 = tpu.memref_squeeze %dma_start3A_367 : memref<1x80xi32, #tpu.memory_space<vmem>> -> memref<80xi32, #tpu.memory_space<vmem>>
        %dma_start3A_369 = arith.constant 0 : i32
        %dma_start3A_370 = tpu.memref_slice %arg5[%arg1, %add3A_351, %dma_start3A_369] : memref<16x128x80xi32, #tpu.memory_space<hbm>> -> memref<1x1x80xi32, #tpu.memory_space<hbm>>
        %dma_start3A_371 = tpu.memref_squeeze %dma_start3A_370 : memref<1x1x80xi32, #tpu.memory_space<hbm>> -> memref<80xi32, #tpu.memory_space<hbm>>
        %dma_start3A_372 = arith.constant 0 : i32
        %dma_start3A_373 = tpu.memref_slice %arg10[%dma_start3A_365, %dma_start3A_372] : memref<4x80xi32, #tpu.memory_space<vmem>> -> memref<1x80xi32, #tpu.memory_space<vmem>>
        %dma_start3A_374 = tpu.memref_squeeze %dma_start3A_373 : memref<1x80xi32, #tpu.memory_space<vmem>> -> memref<80xi32, #tpu.memory_space<vmem>>
        %dma_start3A_375 = arith.constant 0 : i32
        %dma_start3A_376 = tpu.memref_slice %arg5[%arg1, %add3A_351, %dma_start3A_375] : memref<16x128x80xi32, #tpu.memory_space<hbm>> -> memref<1x1x80xi32, #tpu.memory_space<hbm>>
        %dma_start3A_377 = tpu.memref_squeeze %dma_start3A_376 : memref<1x1x80xi32, #tpu.memory_space<hbm>> -> memref<80xi32, #tpu.memory_space<hbm>>
        tpu.enqueue_dma source(%dma_start3A_377 : memref<80xi32, #tpu.memory_space<hbm>>) target(%dma_start3A_374 : memref<80xi32, #tpu.memory_space<vmem>>) target_semaphore(%arg18 : memref<!tpu.dma_semaphore, #tpu.memory_space<semaphore_mem>>)
      } else {
      }
      %add3A_308 = arith.constant 1 : i32
      %add3A_309 = arith.addi %add3A_295, %add3A_308 : i32
      %lt3A_310 = arith.constant 128 : i32
      %lt3A_311 = arith.cmpi slt, %add3A_309, %lt3A_310 : i32
      %convert_element_type3A_312 = arith.extui %lt3A_311 : i1 to i32
      %cond3A_313 = arith.constant 0 : i32
      %cond3A_314 = arith.cmpi ne, %convert_element_type3A_312, %cond3A_313 : i32
      scf.if %cond3A_314 {
        %add3A_350 = arith.constant 1 : i32
        %add3A_351 = arith.addi %add3A_295, %add3A_350 : i32
        %dma_wait3A_352 = arith.constant 0 : i32
        %dma_wait3A_353 = arith.constant 0 : i32
        %dma_wait3A_354 = tpu.memref_slice %arg9[%dma_wait3A_352, %dma_wait3A_353] : memref<4x80xi32, #tpu.memory_space<vmem>> -> memref<1x80xi32, #tpu.memory_space<vmem>>
        %dma_wait3A_355 = tpu.memref_squeeze %dma_wait3A_354 : memref<1x80xi32, #tpu.memory_space<vmem>> -> memref<80xi32, #tpu.memory_space<vmem>>
        %dma_wait3A_356 = arith.constant 0 : i32
        %dma_wait3A_357 = tpu.memref_slice %arg4[%arg1, %add3A_351, %dma_wait3A_356] : memref<16x128x80xi32, #tpu.memory_space<hbm>> -> memref<1x1x80xi32, #tpu.memory_space<hbm>>
        %dma_wait3A_358 = tpu.memref_squeeze %dma_wait3A_357 : memref<1x1x80xi32, #tpu.memory_space<hbm>> -> memref<80xi32, #tpu.memory_space<hbm>>
        %dma_wait3A_359 = arith.constant 0 : i32
        %dma_wait3A_360 = tpu.memref_slice %arg9[%dma_wait3A_352, %dma_wait3A_359] : memref<4x80xi32, #tpu.memory_space<vmem>> -> memref<1x80xi32, #tpu.memory_space<vmem>>
        %dma_wait3A_361 = tpu.memref_squeeze %dma_wait3A_360 : memref<1x80xi32, #tpu.memory_space<vmem>> -> memref<80xi32, #tpu.memory_space<vmem>>
        %dma_wait3A_362 = arith.constant 0 : i32
        %dma_wait3A_363 = tpu.memref_slice %arg4[%arg1, %add3A_351, %dma_wait3A_362] : memref<16x128x80xi32, #tpu.memory_space<hbm>> -> memref<1x1x80xi32, #tpu.memory_space<hbm>>
        %dma_wait3A_364 = tpu.memref_squeeze %dma_wait3A_363 : memref<1x1x80xi32, #tpu.memory_space<hbm>> -> memref<80xi32, #tpu.memory_space<hbm>>
        tpu.wait_dma2 semaphore(%arg13 : memref<!tpu.dma_semaphore, #tpu.memory_space<semaphore_mem>>) src(%dma_wait3A_364 : memref<80xi32, #tpu.memory_space<hbm>>) dst(%dma_wait3A_361 : memref<80xi32, #tpu.memory_space<vmem>>)
        %add3A_365 = arith.constant 1 : i32
        %add3A_366 = arith.addi %add3A_295, %add3A_365 : i32
        %eq3A_367 = arith.constant 0 : i32
        %eq3A_368 = arith.cmpi eq, %arg0, %eq3A_367 : i32
        %convert_element_type3A_369 = arith.extui %eq3A_368 : i1 to i32
        %cond3A_370 = arith.constant 0 : i32
        %cond3A_371 = arith.cmpi ne, %convert_element_type3A_369, %cond3A_370 : i32
        scf.if %cond3A_371 {
          %dma_start3A_377 = arith.constant 0 : i32
          %dma_start3A_378 = arith.constant 0 : i32
          %dma_start3A_379 = arith.constant 0 : i32
          %dma_start3A_380 = arith.constant 0 : i32
          %dma_start3A_381 = tpu.memref_slice %arg11[%dma_start3A_378, %dma_start3A_379, %dma_start3A_380] : memref<4x80x128xf32, #tpu.memory_space<vmem>> -> memref<1x80x128xf32, #tpu.memory_space<vmem>>
          %dma_start3A_382 = tpu.memref_squeeze %dma_start3A_381 : memref<1x80x128xf32, #tpu.memory_space<vmem>> -> memref<80x128xf32, #tpu.memory_space<vmem>>
          %dma_start3A_383 = arith.constant 0 : i32
          %dma_start3A_384 = tpu.memref_slice %arg9[%dma_start3A_377, %dma_start3A_383] : memref<4x80xi32, #tpu.memory_space<vmem>> -> memref<1x80xi32, #tpu.memory_space<vmem>>
          %dma_start3A_385 = tpu.memref_squeeze %dma_start3A_384 : memref<1x80xi32, #tpu.memory_space<vmem>> -> memref<80xi32, #tpu.memory_space<vmem>>
          %dma_start3A_386 = arith.constant 0 : i32
          %dma_start3A_387 = arith.constant 0 : i32
          %dma_start3A_388 = tpu.memref_slice %arg2[%dma_start3A_386, %dma_start3A_387] : memref<10000x128xf32, #tpu.memory_space<hbm>> -> memref<10000x128xf32, #tpu.memory_space<hbm>>
          tpu.enqueue_indirect_dma source(%dma_start3A_388 : memref<10000x128xf32, #tpu.memory_space<hbm>>) target(%dma_start3A_382 : memref<80x128xf32, #tpu.memory_space<vmem>>) offsets(%dma_start3A_385 : memref<80xi32, #tpu.memory_space<vmem>>) semaphore(%arg21 : memref<!tpu.dma_semaphore, #tpu.memory_space<semaphore_mem>>)
        } else {
        }
        %ne3A_372 = arith.constant 0 : i32
        %ne3A_373 = arith.cmpi ne, %arg0, %ne3A_372 : i32
        %convert_element_type3A_374 = arith.extui %ne3A_373 : i1 to i32
        %cond3A_375 = arith.constant 0 : i32
        %cond3A_376 = arith.cmpi ne, %convert_element_type3A_374, %cond3A_375 : i32
        scf.if %cond3A_376 {
          %dma_start3A_377 = arith.constant 0 : i32
          %dma_start3A_378 = arith.constant 0 : i32
          %dma_start3A_379 = arith.constant 0 : i32
          %dma_start3A_380 = arith.constant 0 : i32
          %dma_start3A_381 = tpu.memref_slice %arg11[%dma_start3A_378, %dma_start3A_379, %dma_start3A_380] : memref<4x80x128xf32, #tpu.memory_space<vmem>> -> memref<1x80x128xf32, #tpu.memory_space<vmem>>
          %dma_start3A_382 = tpu.memref_squeeze %dma_start3A_381 : memref<1x80x128xf32, #tpu.memory_space<vmem>> -> memref<80x128xf32, #tpu.memory_space<vmem>>
          %dma_start3A_383 = arith.constant 0 : i32
          %dma_start3A_384 = tpu.memref_slice %arg9[%dma_start3A_377, %dma_start3A_383] : memref<4x80xi32, #tpu.memory_space<vmem>> -> memref<1x80xi32, #tpu.memory_space<vmem>>
          %dma_start3A_385 = tpu.memref_squeeze %dma_start3A_384 : memref<1x80xi32, #tpu.memory_space<vmem>> -> memref<80xi32, #tpu.memory_space<vmem>>
          %dma_start3A_386 = arith.constant 0 : i32
          %dma_start3A_387 = arith.constant 0 : i32
          %dma_start3A_388 = tpu.memref_slice %arg3[%dma_start3A_386, %dma_start3A_387] : memref<10000x128xf32, #tpu.memory_space<hbm>> -> memref<10000x128xf32, #tpu.memory_space<hbm>>
          tpu.enqueue_indirect_dma source(%dma_start3A_388 : memref<10000x128xf32, #tpu.memory_space<hbm>>) target(%dma_start3A_382 : memref<80x128xf32, #tpu.memory_space<vmem>>) offsets(%dma_start3A_385 : memref<80xi32, #tpu.memory_space<vmem>>) semaphore(%arg21 : memref<!tpu.dma_semaphore, #tpu.memory_space<semaphore_mem>>)
        } else {
        }
      } else {
      }
      %eq3A_315 = arith.constant 0 : i32
      %eq3A_316 = arith.cmpi eq, %arg0, %eq3A_315 : i32
      %convert_element_type3A_317 = arith.extui %eq3A_316 : i1 to i32
      %cond3A_318 = arith.constant 0 : i32
      %cond3A_319 = arith.cmpi ne, %convert_element_type3A_317, %cond3A_318 : i32
      scf.if %cond3A_319 {
        %dma_wait3A_350 = arith.constant 3 : i32
        %dma_wait3A_351 = arith.constant 3 : i32
        %dma_wait3A_352 = arith.constant 0 : i32
        %dma_wait3A_353 = arith.constant 0 : i32
        %dma_wait3A_354 = tpu.memref_slice %arg11[%dma_wait3A_351, %dma_wait3A_352, %dma_wait3A_353] : memref<4x80x128xf32, #tpu.memory_space<vmem>> -> memref<1x80x128xf32, #tpu.memory_space<vmem>>
        %dma_wait3A_355 = tpu.memref_squeeze %dma_wait3A_354 : memref<1x80x128xf32, #tpu.memory_space<vmem>> -> memref<80x128xf32, #tpu.memory_space<vmem>>
        %dma_wait3A_356 = arith.constant 0 : i32
        %dma_wait3A_357 = tpu.memref_slice %arg9[%dma_wait3A_350, %dma_wait3A_356] : memref<4x80xi32, #tpu.memory_space<vmem>> -> memref<1x80xi32, #tpu.memory_space<vmem>>
        %dma_wait3A_358 = tpu.memref_squeeze %dma_wait3A_357 : memref<1x80xi32, #tpu.memory_space<vmem>> -> memref<80xi32, #tpu.memory_space<vmem>>
        %dma_wait3A_359 = arith.constant 0 : i32
        %dma_wait3A_360 = arith.constant 0 : i32
        %dma_wait3A_361 = tpu.memref_slice %arg2[%dma_wait3A_359, %dma_wait3A_360] : memref<10000x128xf32, #tpu.memory_space<hbm>> -> memref<10000x128xf32, #tpu.memory_space<hbm>>
        tpu.wait_indirect_dma semaphore(%arg24 : memref<!tpu.dma_semaphore, #tpu.memory_space<semaphore_mem>>) src(%dma_wait3A_361 : memref<10000x128xf32, #tpu.memory_space<hbm>>) dst(%dma_wait3A_355 : memref<80x128xf32, #tpu.memory_space<vmem>>)
      } else {
      }
      %ne3A_320 = arith.constant 0 : i32
      %ne3A_321 = arith.cmpi ne, %arg0, %ne3A_320 : i32
      %convert_element_type3A_322 = arith.extui %ne3A_321 : i1 to i32
      %cond3A_323 = arith.constant 0 : i32
      %cond3A_324 = arith.cmpi ne, %convert_element_type3A_322, %cond3A_323 : i32
      scf.if %cond3A_324 {
        %dma_wait3A_350 = arith.constant 3 : i32
        %dma_wait3A_351 = arith.constant 3 : i32
        %dma_wait3A_352 = arith.constant 0 : i32
        %dma_wait3A_353 = arith.constant 0 : i32
        %dma_wait3A_354 = tpu.memref_slice %arg11[%dma_wait3A_351, %dma_wait3A_352, %dma_wait3A_353] : memref<4x80x128xf32, #tpu.memory_space<vmem>> -> memref<1x80x128xf32, #tpu.memory_space<vmem>>
        %dma_wait3A_355 = tpu.memref_squeeze %dma_wait3A_354 : memref<1x80x128xf32, #tpu.memory_space<vmem>> -> memref<80x128xf32, #tpu.memory_space<vmem>>
        %dma_wait3A_356 = arith.constant 0 : i32
        %dma_wait3A_357 = tpu.memref_slice %arg9[%dma_wait3A_350, %dma_wait3A_356] : memref<4x80xi32, #tpu.memory_space<vmem>> -> memref<1x80xi32, #tpu.memory_space<vmem>>
        %dma_wait3A_358 = tpu.memref_squeeze %dma_wait3A_357 : memref<1x80xi32, #tpu.memory_space<vmem>> -> memref<80xi32, #tpu.memory_space<vmem>>
        %dma_wait3A_359 = arith.constant 0 : i32
        %dma_wait3A_360 = arith.constant 0 : i32
        %dma_wait3A_361 = tpu.memref_slice %arg3[%dma_wait3A_359, %dma_wait3A_360] : memref<10000x128xf32, #tpu.memory_space<hbm>> -> memref<10000x128xf32, #tpu.memory_space<hbm>>
        tpu.wait_indirect_dma semaphore(%arg24 : memref<!tpu.dma_semaphore, #tpu.memory_space<semaphore_mem>>) src(%dma_wait3A_361 : memref<10000x128xf32, #tpu.memory_space<hbm>>) dst(%dma_wait3A_355 : memref<80x128xf32, #tpu.memory_space<vmem>>)
      } else {
      }
      %dma_wait3A_325 = arith.constant 3 : i32
      %dma_wait3A_326 = arith.constant 0 : i32
      %dma_wait3A_327 = tpu.memref_slice %arg10[%dma_wait3A_325, %dma_wait3A_326] : memref<4x80xi32, #tpu.memory_space<vmem>> -> memref<1x80xi32, #tpu.memory_space<vmem>>
      %dma_wait3A_328 = tpu.memref_squeeze %dma_wait3A_327 : memref<1x80xi32, #tpu.memory_space<vmem>> -> memref<80xi32, #tpu.memory_space<vmem>>
      %dma_wait3A_329 = arith.constant 0 : i32
      %dma_wait3A_330 = tpu.memref_slice %arg5[%arg1, %add3A_295, %dma_wait3A_329] : memref<16x128x80xi32, #tpu.memory_space<hbm>> -> memref<1x1x80xi32, #tpu.memory_space<hbm>>
      %dma_wait3A_331 = tpu.memref_squeeze %dma_wait3A_330 : memref<1x1x80xi32, #tpu.memory_space<hbm>> -> memref<80xi32, #tpu.memory_space<hbm>>
      %dma_wait3A_332 = arith.constant 0 : i32
      %dma_wait3A_333 = tpu.memref_slice %arg10[%dma_wait3A_325, %dma_wait3A_332] : memref<4x80xi32, #tpu.memory_space<vmem>> -> memref<1x80xi32, #tpu.memory_space<vmem>>
      %dma_wait3A_334 = tpu.memref_squeeze %dma_wait3A_333 : memref<1x80xi32, #tpu.memory_space<vmem>> -> memref<80xi32, #tpu.memory_space<vmem>>
      %dma_wait3A_335 = arith.constant 0 : i32
      %dma_wait3A_336 = tpu.memref_slice %arg5[%arg1, %add3A_295, %dma_wait3A_335] : memref<16x128x80xi32, #tpu.memory_space<hbm>> -> memref<1x1x80xi32, #tpu.memory_space<hbm>>
      %dma_wait3A_337 = tpu.memref_squeeze %dma_wait3A_336 : memref<1x1x80xi32, #tpu.memory_space<hbm>> -> memref<80xi32, #tpu.memory_space<hbm>>
      tpu.wait_dma2 semaphore(%arg20 : memref<!tpu.dma_semaphore, #tpu.memory_space<semaphore_mem>>) src(%dma_wait3A_337 : memref<80xi32, #tpu.memory_space<hbm>>) dst(%dma_wait3A_334 : memref<80xi32, #tpu.memory_space<vmem>>)
      %dma_start3A_338 = arith.constant 3 : i32
      %dma_start3A_339 = arith.constant 3 : i32
      %dma_start3A_340 = arith.constant 0 : i32
      %dma_start3A_341 = arith.constant 0 : i32
      %dma_start3A_342 = tpu.memref_slice %arg11[%dma_start3A_338, %dma_start3A_340, %dma_start3A_341] : memref<4x80x128xf32, #tpu.memory_space<vmem>> -> memref<1x80x128xf32, #tpu.memory_space<vmem>>
      %dma_start3A_343 = tpu.memref_squeeze %dma_start3A_342 : memref<1x80x128xf32, #tpu.memory_space<vmem>> -> memref<80x128xf32, #tpu.memory_space<vmem>>
      %dma_start3A_344 = arith.constant 0 : i32
      %dma_start3A_345 = tpu.memref_slice %arg10[%dma_start3A_339, %dma_start3A_344] : memref<4x80xi32, #tpu.memory_space<vmem>> -> memref<1x80xi32, #tpu.memory_space<vmem>>
      %dma_start3A_346 = tpu.memref_squeeze %dma_start3A_345 : memref<1x80xi32, #tpu.memory_space<vmem>> -> memref<80xi32, #tpu.memory_space<vmem>>
      %dma_start3A_347 = arith.constant 0 : i32
      %dma_start3A_348 = arith.constant 0 : i32
      %dma_start3A_349 = tpu.memref_slice %arg12[%dma_start3A_347, %dma_start3A_348] : memref<10112x128xf32, #tpu.memory_space<vmem_shared>> -> memref<10112x128xf32, #tpu.memory_space<vmem_shared>>
      tpu.enqueue_indirect_dma source(%dma_start3A_343 : memref<80x128xf32, #tpu.memory_space<vmem>>) target(%dma_start3A_349 : memref<10112x128xf32, #tpu.memory_space<vmem_shared>>) offsets(%dma_start3A_346 : memref<80xi32, #tpu.memory_space<vmem>>) semaphore(%arg28 : memref<!tpu.dma_semaphore, #tpu.memory_space<semaphore_mem>>) {add = true}
    }
    %scan3A_79 = arith.constant 32 : i32
    %dma_wait3A_80 = arith.constant 2 : i32
    %dma_wait3A_81 = arith.constant 2 : i32
    %dma_wait3A_82 = arith.constant 0 : i32
    %dma_wait3A_83 = arith.constant 0 : i32
    %dma_wait3A_84 = tpu.memref_slice %arg11[%dma_wait3A_80, %dma_wait3A_82, %dma_wait3A_83] : memref<4x80x128xf32, #tpu.memory_space<vmem>> -> memref<1x80x128xf32, #tpu.memory_space<vmem>>
    %dma_wait3A_85 = tpu.memref_squeeze %dma_wait3A_84 : memref<1x80x128xf32, #tpu.memory_space<vmem>> -> memref<80x128xf32, #tpu.memory_space<vmem>>
    %dma_wait3A_86 = arith.constant 0 : i32
    %dma_wait3A_87 = tpu.memref_slice %arg10[%dma_wait3A_81, %dma_wait3A_86] : memref<4x80xi32, #tpu.memory_space<vmem>> -> memref<1x80xi32, #tpu.memory_space<vmem>>
    %dma_wait3A_88 = tpu.memref_squeeze %dma_wait3A_87 : memref<1x80xi32, #tpu.memory_space<vmem>> -> memref<80xi32, #tpu.memory_space<vmem>>
    %dma_wait3A_89 = arith.constant 0 : i32
    %dma_wait3A_90 = arith.constant 0 : i32
    %dma_wait3A_91 = tpu.memref_slice %arg12[%dma_wait3A_89, %dma_wait3A_90] : memref<10112x128xf32, #tpu.memory_space<vmem_shared>> -> memref<10112x128xf32, #tpu.memory_space<vmem_shared>>
    tpu.wait_indirect_dma semaphore(%arg27 : memref<!tpu.dma_semaphore, #tpu.memory_space<semaphore_mem>>) src(%dma_wait3A_85 : memref<80x128xf32, #tpu.memory_space<vmem>>) dst(%dma_wait3A_91 : memref<10112x128xf32, #tpu.memory_space<vmem_shared>>)
    %dma_wait3A_92 = arith.constant 3 : i32
    %dma_wait3A_93 = arith.constant 3 : i32
    %dma_wait3A_94 = arith.constant 0 : i32
    %dma_wait3A_95 = arith.constant 0 : i32
    %dma_wait3A_96 = tpu.memref_slice %arg11[%dma_wait3A_92, %dma_wait3A_94, %dma_wait3A_95] : memref<4x80x128xf32, #tpu.memory_space<vmem>> -> memref<1x80x128xf32, #tpu.memory_space<vmem>>
    %dma_wait3A_97 = tpu.memref_squeeze %dma_wait3A_96 : memref<1x80x128xf32, #tpu.memory_space<vmem>> -> memref<80x128xf32, #tpu.memory_space<vmem>>
    %dma_wait3A_98 = arith.constant 0 : i32
    %dma_wait3A_99 = tpu.memref_slice %arg10[%dma_wait3A_93, %dma_wait3A_98] : memref<4x80xi32, #tpu.memory_space<vmem>> -> memref<1x80xi32, #tpu.memory_space<vmem>>
    %dma_wait3A_100 = tpu.memref_squeeze %dma_wait3A_99 : memref<1x80xi32, #tpu.memory_space<vmem>> -> memref<80xi32, #tpu.memory_space<vmem>>
    %dma_wait3A_101 = arith.constant 0 : i32
    %dma_wait3A_102 = arith.constant 0 : i32
    %dma_wait3A_103 = tpu.memref_slice %arg12[%dma_wait3A_101, %dma_wait3A_102] : memref<10112x128xf32, #tpu.memory_space<vmem_shared>> -> memref<10112x128xf32, #tpu.memory_space<vmem_shared>>
    tpu.wait_indirect_dma semaphore(%arg28 : memref<!tpu.dma_semaphore, #tpu.memory_space<semaphore_mem>>) src(%dma_wait3A_97 : memref<80x128xf32, #tpu.memory_space<vmem>>) dst(%dma_wait3A_103 : memref<10112x128xf32, #tpu.memory_space<vmem_shared>>)
    %barrier3A_104 = arith.constant 0 : index
    tpu.barrier barrier_id(%barrier3A_104)
    %mul3A_105 = arith.constant 624 : i32
    %mul3A_106 = arith.muli %arg1, %mul3A_105 : i32
    %multiple_of3A_107 = tpu.assume_multiple %mul3A_106, 8 : i32
    %eq3A_108 = arith.constant 15 : i32
    %eq3A_109 = arith.cmpi eq, %arg1, %eq3A_108 : i32
    %eq3A_110 = arith.constant 0 : i32
    %eq3A_111 = arith.cmpi eq, %arg0, %eq3A_110 : i32
    %convert_element_type3A_112 = arith.extui %eq3A_111 : i1 to i32
    %cond3A_113 = arith.constant 0 : i32
    %cond3A_114 = arith.cmpi ne, %convert_element_type3A_112, %cond3A_113 : i32
    scf.if %cond3A_114 {
      "tpu.region"() ({
        %run_scoped3A = tpu.sem_alloc : memref<!tpu.dma_semaphore, #tpu.memory_space<semaphore_mem>>
        %dma_start3A_123 = arith.constant 0 : i32
        %dma_start3A_124 = tpu.memref_slice %arg7[%multiple_of3A_107, %dma_start3A_123] : memref<10000x128xf32, #tpu.memory_space<hbm>> -> memref<624x128xf32, #tpu.memory_space<hbm>>
        %dma_start3A_125 = arith.constant 0 : i32
        %dma_start3A_126 = tpu.memref_slice %arg12[%multiple_of3A_107, %dma_start3A_125] : memref<10112x128xf32, #tpu.memory_space<vmem_shared>> -> memref<624x128xf32, #tpu.memory_space<vmem_shared>>
        tpu.enqueue_dma source(%dma_start3A_126 : memref<624x128xf32, #tpu.memory_space<vmem_shared>>) target(%dma_start3A_124 : memref<624x128xf32, #tpu.memory_space<hbm>>) target_semaphore(%run_scoped3A : memref<!tpu.dma_semaphore, #tpu.memory_space<semaphore_mem>>)
        %dma_wait3A_127 = arith.constant 0 : i32
        %dma_wait3A_128 = tpu.memref_slice %arg7[%multiple_of3A_107, %dma_wait3A_127] : memref<10000x128xf32, #tpu.memory_space<hbm>> -> memref<624x128xf32, #tpu.memory_space<hbm>>
        %dma_wait3A_129 = arith.constant 0 : i32
        %dma_wait3A_130 = tpu.memref_slice %arg12[%multiple_of3A_107, %dma_wait3A_129] : memref<10112x128xf32, #tpu.memory_space<vmem_shared>> -> memref<624x128xf32, #tpu.memory_space<vmem_shared>>
        tpu.wait_dma2 semaphore(%run_scoped3A : memref<!tpu.dma_semaphore, #tpu.memory_space<semaphore_mem>>) src(%dma_wait3A_130 : memref<624x128xf32, #tpu.memory_space<vmem_shared>>) dst(%dma_wait3A_128 : memref<624x128xf32, #tpu.memory_space<hbm>>)
        tpu.yield
      }) : () -> ()
      %convert_element_type3A_120 = arith.extui %eq3A_109 : i1 to i32
      %cond3A_121 = arith.constant 0 : i32
      %cond3A_122 = arith.cmpi ne, %convert_element_type3A_120, %cond3A_121 : i32
      scf.if %cond3A_122 {
        "tpu.region"() ({
          %run_scoped3A = tpu.sem_alloc : memref<!tpu.dma_semaphore, #tpu.memory_space<semaphore_mem>>
          %dma_start3A_123 = arith.constant 9984 : i32
          %dma_start3A_124 = arith.constant 0 : i32
          %dma_start3A_125 = tpu.memref_slice %arg7[%dma_start3A_123, %dma_start3A_124] : memref<10000x128xf32, #tpu.memory_space<hbm>> -> memref<16x128xf32, #tpu.memory_space<hbm>>
          %dma_start3A_126 = arith.constant 9984 : i32
          %dma_start3A_127 = arith.constant 0 : i32
          %dma_start3A_128 = tpu.memref_slice %arg12[%dma_start3A_126, %dma_start3A_127] : memref<10112x128xf32, #tpu.memory_space<vmem_shared>> -> memref<16x128xf32, #tpu.memory_space<vmem_shared>>
          tpu.enqueue_dma source(%dma_start3A_128 : memref<16x128xf32, #tpu.memory_space<vmem_shared>>) target(%dma_start3A_125 : memref<16x128xf32, #tpu.memory_space<hbm>>) target_semaphore(%run_scoped3A : memref<!tpu.dma_semaphore, #tpu.memory_space<semaphore_mem>>)
          %dma_wait3A_129 = arith.constant 9984 : i32
          %dma_wait3A_130 = arith.constant 0 : i32
          %dma_wait3A_131 = tpu.memref_slice %arg7[%dma_wait3A_129, %dma_wait3A_130] : memref<10000x128xf32, #tpu.memory_space<hbm>> -> memref<16x128xf32, #tpu.memory_space<hbm>>
          %dma_wait3A_132 = arith.constant 9984 : i32
          %dma_wait3A_133 = arith.constant 0 : i32
          %dma_wait3A_134 = tpu.memref_slice %arg12[%dma_wait3A_132, %dma_wait3A_133] : memref<10112x128xf32, #tpu.memory_space<vmem_shared>> -> memref<16x128xf32, #tpu.memory_space<vmem_shared>>
          tpu.wait_dma2 semaphore(%run_scoped3A : memref<!tpu.dma_semaphore, #tpu.memory_space<semaphore_mem>>) src(%dma_wait3A_134 : memref<16x128xf32, #tpu.memory_space<vmem_shared>>) dst(%dma_wait3A_131 : memref<16x128xf32, #tpu.memory_space<hbm>>)
          tpu.yield
        }) : () -> ()
      } else {
      }
    } else {
    }
    %ne3A_115 = arith.constant 0 : i32
    %ne3A_116 = arith.cmpi ne, %arg0, %ne3A_115 : i32
    %convert_element_type3A_117 = arith.extui %ne3A_116 : i1 to i32
    %cond3A_118 = arith.constant 0 : i32
    %cond3A_119 = arith.cmpi ne, %convert_element_type3A_117, %cond3A_118 : i32
    scf.if %cond3A_119 {
      "tpu.region"() ({
        %run_scoped3A = tpu.sem_alloc : memref<!tpu.dma_semaphore, #tpu.memory_space<semaphore_mem>>
        %dma_start3A_123 = arith.constant 0 : i32
        %dma_start3A_124 = tpu.memref_slice %arg8[%multiple_of3A_107, %dma_start3A_123] : memref<10000x128xf32, #tpu.memory_space<hbm>> -> memref<624x128xf32, #tpu.memory_space<hbm>>
        %dma_start3A_125 = arith.constant 0 : i32
        %dma_start3A_126 = tpu.memref_slice %arg12[%multiple_of3A_107, %dma_start3A_125] : memref<10112x128xf32, #tpu.memory_space<vmem_shared>> -> memref<624x128xf32, #tpu.memory_space<vmem_shared>>
        tpu.enqueue_dma source(%dma_start3A_126 : memref<624x128xf32, #tpu.memory_space<vmem_shared>>) target(%dma_start3A_124 : memref<624x128xf32, #tpu.memory_space<hbm>>) target_semaphore(%run_scoped3A : memref<!tpu.dma_semaphore, #tpu.memory_space<semaphore_mem>>)
        %dma_wait3A_127 = arith.constant 0 : i32
        %dma_wait3A_128 = tpu.memref_slice %arg8[%multiple_of3A_107, %dma_wait3A_127] : memref<10000x128xf32, #tpu.memory_space<hbm>> -> memref<624x128xf32, #tpu.memory_space<hbm>>
        %dma_wait3A_129 = arith.constant 0 : i32
        %dma_wait3A_130 = tpu.memref_slice %arg12[%multiple_of3A_107, %dma_wait3A_129] : memref<10112x128xf32, #tpu.memory_space<vmem_shared>> -> memref<624x128xf32, #tpu.memory_space<vmem_shared>>
        tpu.wait_dma2 semaphore(%run_scoped3A : memref<!tpu.dma_semaphore, #tpu.memory_space<semaphore_mem>>) src(%dma_wait3A_130 : memref<624x128xf32, #tpu.memory_space<vmem_shared>>) dst(%dma_wait3A_128 : memref<624x128xf32, #tpu.memory_space<hbm>>)
        tpu.yield
      }) : () -> ()
      %convert_element_type3A_120 = arith.extui %eq3A_109 : i1 to i32
      %cond3A_121 = arith.constant 0 : i32
      %cond3A_122 = arith.cmpi ne, %convert_element_type3A_120, %cond3A_121 : i32
      scf.if %cond3A_122 {
        "tpu.region"() ({
          %run_scoped3A = tpu.sem_alloc : memref<!tpu.dma_semaphore, #tpu.memory_space<semaphore_mem>>
          %dma_start3A_123 = arith.constant 9984 : i32
          %dma_start3A_124 = arith.constant 0 : i32
          %dma_start3A_125 = tpu.memref_slice %arg8[%dma_start3A_123, %dma_start3A_124] : memref<10000x128xf32, #tpu.memory_space<hbm>> -> memref<16x128xf32, #tpu.memory_space<hbm>>
          %dma_start3A_126 = arith.constant 9984 : i32
          %dma_start3A_127 = arith.constant 0 : i32
          %dma_start3A_128 = tpu.memref_slice %arg12[%dma_start3A_126, %dma_start3A_127] : memref<10112x128xf32, #tpu.memory_space<vmem_shared>> -> memref<16x128xf32, #tpu.memory_space<vmem_shared>>
          tpu.enqueue_dma source(%dma_start3A_128 : memref<16x128xf32, #tpu.memory_space<vmem_shared>>) target(%dma_start3A_125 : memref<16x128xf32, #tpu.memory_space<hbm>>) target_semaphore(%run_scoped3A : memref<!tpu.dma_semaphore, #tpu.memory_space<semaphore_mem>>)
          %dma_wait3A_129 = arith.constant 9984 : i32
          %dma_wait3A_130 = arith.constant 0 : i32
          %dma_wait3A_131 = tpu.memref_slice %arg8[%dma_wait3A_129, %dma_wait3A_130] : memref<10000x128xf32, #tpu.memory_space<hbm>> -> memref<16x128xf32, #tpu.memory_space<hbm>>
          %dma_wait3A_132 = arith.constant 9984 : i32
          %dma_wait3A_133 = arith.constant 0 : i32
          %dma_wait3A_134 = tpu.memref_slice %arg12[%dma_wait3A_132, %dma_wait3A_133] : memref<10112x128xf32, #tpu.memory_space<vmem_shared>> -> memref<16x128xf32, #tpu.memory_space<vmem_shared>>
          tpu.wait_dma2 semaphore(%run_scoped3A : memref<!tpu.dma_semaphore, #tpu.memory_space<semaphore_mem>>) src(%dma_wait3A_134 : memref<16x128xf32, #tpu.memory_space<vmem_shared>>) dst(%dma_wait3A_131 : memref<16x128xf32, #tpu.memory_space<hbm>>)
          tpu.yield
        }) : () -> ()
      } else {
      }
    } else {
    }
    return
  }
}

module attributes {stable_mosaic.version = 14 : i64} {
  func.func @_self_body(%arg0: i32, %arg1: memref<1000x256xf32, #tpu.memory_space<vmem>>, %arg2: memref<256x256xf32, #tpu.memory_space<vmem>>, %arg3: memref<1x256xf32, #tpu.memory_space<vmem>>, %arg4: memref<1000x256xf32, #tpu.memory_space<vmem>>) attributes {dimension_semantics = [#tpu.dimension_semantics<arbitrary>], iteration_bounds = array<i64: 10>, scalar_prefetch = 0 : i64, scratch_operands = 0 : i64, tpu.core_type = #tpu.core_type<tc>, window_params = [{transform_indices = @transform_0, window_bounds = array<i64: 1000, 256>}, {pipeline_mode = #tpu.pipeline_mode<synchronous>, transform_indices = @transform_1, window_bounds = array<i64: 256, 256>}, {pipeline_mode = #tpu.pipeline_mode<synchronous>, transform_indices = @transform_2, window_bounds = array<i64: 1, 256>}, {transform_indices = @transform_3, window_bounds = array<i64: 1000, 256>}]} {
    %get3A = arith.constant 0 : index
    %get3A_0 = arith.constant 0 : index
    %get3A_1 = vector.load %arg1[%get3A, %get3A_0] : memref<1000x256xf32, #tpu.memory_space<vmem>>, vector<1000x256xf32>
    %get3A_2 = arith.constant 0 : index
    %get3A_3 = arith.constant 0 : index
    %get3A_4 = vector.load %arg2[%get3A_2, %get3A_3] : memref<256x256xf32, #tpu.memory_space<vmem>>, vector<256x256xf32>
    %dot_general3A = arith.constant dense<0.000000e+00> : vector<1000x256xf32>
    %dot_general3A_5 = tpu.matmul %get3A_1, %get3A_4, %dot_general3A {dimension_numbers = #tpu.dot_dimension_numbers<[1], [0], [0], [1], [0, 0, 1, 1], [], []>, precision = #tpu.contract_precision<fp32>, transpose_lhs_hint = false} : vector<1000x256xf32>, vector<256x256xf32>, vector<1000x256xf32> -> vector<1000x256xf32>
    %get3A_6 = arith.constant 0 : index
    %get3A_7 = arith.constant 0 : index
    %get3A_8 = vector.load %arg3[%get3A_6, %get3A_7] : memref<1x256xf32, #tpu.memory_space<vmem>>, vector<1x256xf32>
    %add3A = vector.broadcast %get3A_8 : vector<1x256xf32> to vector<1000x256xf32>
    %add3A_9 = arith.addf %dot_general3A_5, %add3A : vector<1000x256xf32>
    %swap3A = arith.constant 0 : index
    %swap3A_10 = arith.constant 0 : index
    %swap3A_11 = vector.load %arg4[%swap3A, %swap3A_10] : memref<1000x256xf32, #tpu.memory_space<vmem>>, vector<1000x256xf32>
    tpu.vector_store %arg4[%swap3A, %swap3A_10], %add3A_9 {strides = array<i32>} : memref<1000x256xf32, #tpu.memory_space<vmem>>, vector<1000x256xf32>,
    return
  }
  func.func @transform_0(%arg0: i32) -> (i32, i32) {
    %c0_i32 = arith.constant 0 : i32
    %c0_i32_0 = arith.constant 0 : i32
    return %arg0, %c0_i32 : i32, i32
  }
  func.func @transform_1(%arg0: i32) -> (i32, i32) {
    %c0_i32 = arith.constant 0 : i32
    %c0_i32_0 = arith.constant 0 : i32
    %c0_i32_1 = arith.constant 0 : i32
    return %c0_i32, %c0_i32_0 : i32, i32
  }
  func.func @transform_2(%arg0: i32) -> (i32, i32) {
    %c0_i32 = arith.constant 0 : i32
    %c0_i32_0 = arith.constant 0 : i32
    %c0_i32_1 = arith.constant 0 : i32
    return %c0_i32, %c0_i32_0 : i32, i32
  }
  func.func @transform_3(%arg0: i32) -> (i32, i32) {
    %c0_i32 = arith.constant 0 : i32
    %c0_i32_0 = arith.constant 0 : i32
    return %arg0, %c0_i32 : i32, i32
  }
}

module attributes {stable_mosaic.version = 14 : i64} {
  func.func @_dense_body(%arg0: i32, %arg1: memref<1000x256xf32, #tpu.memory_space<vmem>>, %arg2: memref<1000x128xf32, #tpu.memory_space<vmem>>, %arg3: memref<1000x128xf32, #tpu.memory_space<vmem>>, %arg4: memref<1000x128xf32, #tpu.memory_space<vmem>>, %arg5: memref<1000x128xf32, #tpu.memory_space<vmem>>, %arg6: memref<256x256xf32, #tpu.memory_space<vmem>>, %arg7: memref<1000x256xf32, #tpu.memory_space<vmem>>) attributes {dimension_semantics = [#tpu.dimension_semantics<arbitrary>], iteration_bounds = array<i64: 10>, scalar_prefetch = 0 : i64, scratch_operands = 0 : i64, tpu.core_type = #tpu.core_type<tc>, window_params = [{transform_indices = @transform_0, window_bounds = array<i64: 1000, 256>}, {transform_indices = @transform_1, window_bounds = array<i64: 1000, 128>}, {transform_indices = @transform_2, window_bounds = array<i64: 1000, 128>}, {transform_indices = @transform_3, window_bounds = array<i64: 1000, 128>}, {transform_indices = @transform_4, window_bounds = array<i64: 1000, 128>}, {pipeline_mode = #tpu.pipeline_mode<synchronous>, transform_indices = @transform_5, window_bounds = array<i64: 256, 256>}, {transform_indices = @transform_6, window_bounds = array<i64: 1000, 256>}]} {
    %get3A = arith.constant 0 : index
    %get3A_0 = arith.constant 0 : index
    %get3A_1 = vector.load %arg4[%get3A, %get3A_0] : memref<1000x128xf32, #tpu.memory_space<vmem>>, vector<1000x128xf32>
    %slice3A = vector.extract_strided_slice %get3A_1 {offsets = [0, 0], sizes = [1000, 1], strides = [1, 1]} : vector<1000x128xf32> to vector<1000x1xf32>
    %get3A_2 = arith.constant 0 : index
    %get3A_3 = arith.constant 0 : index
    %get3A_4 = vector.load %arg5[%get3A_2, %get3A_3] : memref<1000x128xf32, #tpu.memory_space<vmem>>, vector<1000x128xf32>
    %slice3A_5 = vector.extract_strided_slice %get3A_4 {offsets = [0, 0], sizes = [1000, 1], strides = [1, 1]} : vector<1000x128xf32> to vector<1000x1xf32>
    %add3A = arith.addf %slice3A, %slice3A_5 : vector<1000x1xf32>
    %max3A = arith.constant 1.000000e+00 : f32
    %max3A_6 = vector.broadcast %max3A : f32 to vector<1000x1xf32>
    %max3A_7 = arith.maximumf %add3A, %max3A_6 : vector<1000x1xf32>
    %div3A = arith.constant 1.000000e+00 : f32
    %div3A_8 = vector.broadcast %div3A : f32 to vector<1000x1xf32>
    %div3A_9 = arith.divf %div3A_8, %max3A_7 : vector<1000x1xf32>
    %get3A_10 = arith.constant 0 : index
    %get3A_11 = arith.constant 0 : index
    %get3A_12 = vector.load %arg2[%get3A_10, %get3A_11] : memref<1000x128xf32, #tpu.memory_space<vmem>>, vector<1000x128xf32>
    %get3A_13 = arith.constant 0 : index
    %get3A_14 = arith.constant 0 : index
    %get3A_15 = vector.load %arg3[%get3A_13, %get3A_14] : memref<1000x128xf32, #tpu.memory_space<vmem>>, vector<1000x128xf32>
    %concatenate3A = tpu.concatenate %get3A_12, %get3A_15 in 1 : vector<1000x128xf32>, vector<1000x128xf32> -> vector<1000x256xf32>
    %mul3A = vector.broadcast %div3A_9 : vector<1000x1xf32> to vector<1000x256xf32>
    %mul3A_16 = arith.mulf %concatenate3A, %mul3A : vector<1000x256xf32>
    %get3A_17 = arith.constant 0 : index
    %get3A_18 = arith.constant 0 : index
    %get3A_19 = vector.load %arg1[%get3A_17, %get3A_18] : memref<1000x256xf32, #tpu.memory_space<vmem>>, vector<1000x256xf32>
    %get3A_20 = arith.constant 0 : index
    %get3A_21 = arith.constant 0 : index
    %get3A_22 = vector.load %arg6[%get3A_20, %get3A_21] : memref<256x256xf32, #tpu.memory_space<vmem>>, vector<256x256xf32>
    %dot_general3A = arith.constant dense<0.000000e+00> : vector<1000x256xf32>
    %dot_general3A_23 = tpu.matmul %mul3A_16, %get3A_22, %dot_general3A {dimension_numbers = #tpu.dot_dimension_numbers<[1], [0], [0], [1], [0, 0, 1, 1], [], []>, precision = #tpu.contract_precision<fp32>, transpose_lhs_hint = false} : vector<1000x256xf32>, vector<256x256xf32>, vector<1000x256xf32> -> vector<1000x256xf32>
    %add3A_24 = arith.addf %get3A_19, %dot_general3A_23 : vector<1000x256xf32>
    %swap3A = arith.constant 0 : index
    %swap3A_25 = arith.constant 0 : index
    %swap3A_26 = vector.load %arg7[%swap3A, %swap3A_25] : memref<1000x256xf32, #tpu.memory_space<vmem>>, vector<1000x256xf32>
    tpu.vector_store %arg7[%swap3A, %swap3A_25], %add3A_24 {strides = array<i32>} : memref<1000x256xf32, #tpu.memory_space<vmem>>, vector<1000x256xf32>,
    return
  }
  func.func @transform_0(%arg0: i32) -> (i32, i32) {
    %c0_i32 = arith.constant 0 : i32
    %c0_i32_0 = arith.constant 0 : i32
    return %arg0, %c0_i32 : i32, i32
  }
  func.func @transform_1(%arg0: i32) -> (i32, i32) {
    %c0_i32 = arith.constant 0 : i32
    %c0_i32_0 = arith.constant 0 : i32
    return %arg0, %c0_i32 : i32, i32
  }
  func.func @transform_2(%arg0: i32) -> (i32, i32) {
    %c0_i32 = arith.constant 0 : i32
    %c0_i32_0 = arith.constant 0 : i32
    return %arg0, %c0_i32 : i32, i32
  }
  func.func @transform_3(%arg0: i32) -> (i32, i32) {
    %c0_i32 = arith.constant 0 : i32
    %c0_i32_0 = arith.constant 0 : i32
    return %arg0, %c0_i32 : i32, i32
  }
  func.func @transform_4(%arg0: i32) -> (i32, i32) {
    %c0_i32 = arith.constant 0 : i32
    %c0_i32_0 = arith.constant 0 : i32
    return %arg0, %c0_i32 : i32, i32
  }
  func.func @transform_5(%arg0: i32) -> (i32, i32) {
    %c0_i32 = arith.constant 0 : i32
    %c0_i32_0 = arith.constant 0 : i32
    %c0_i32_1 = arith.constant 0 : i32
    return %c0_i32, %c0_i32_0 : i32, i32
  }
  func.func @transform_6(%arg0: i32) -> (i32, i32) {
    %c0_i32 = arith.constant 0 : i32
    %c0_i32_0 = arith.constant 0 : i32
    return %arg0, %c0_i32 : i32, i32
  }
}

</mosaic_0001>

<sc_bundles>
// kernel: sage_sc_agg.3.cloned.1.call-start
scs
__scs_entry_jumppad:
0x0: {  	(pc) =	sbr.rel $0x88, $3  }
0x1: {  	(tag) =	ssettag $0x0;
	lr =	simm.s32 $0x1  }
0x2: {  	[smem:$0x3F9B] =	sst lr;
	_ =	strace $0xD0000000  }
0x3: {  	_ = 	snop  }
0x4: {  	_ = 	snop  }
0x5: {  	_ = 	snop  }
0x6: {  	_ = 	snop  }
0x7: {  	_ = 	snop  }
__scs_overlays_trampoline_lowered:
0x8: {  	[smem:$0x3FAA] =	sst s0  }
0x9: {  	[smem:$0x3FAB] =	sst s1  }
0xa: {  	[smem:$0x3FAC] =	sst s2  }
0xb: {  	[smem:$0x3FAD] =	sst s3  }
0xc: {  	[smem:$0x3FAE] =	sst s4  }
0xd: {  	[smem:$0x3FAF] =	sst s5  }
0xe: {  	[smem:$0x3FB0] =	sst s6  }
0xf: {  	[smem:$0x3FB1] =	sst s7  }
0x10: {  	[smem:$0x3FB2] =	sst s8  }
0x11: {  	[smem:$0x3FB3] =	sst s9;
	s0 =	simm.s32 @!p0 $0x0  }
0x12: {  	s1 =	sld [smem:$0x3F99];
	s0 =	simm.s32 @p0 $0x1  }
0x13: {  	[smem:$0x3FB4] =	sst s0;
	s0 =	simm.s32 @!p1 $0x0  }
0x14: {  	s2 =	sld [smem:$0x3F98];
	s0 =	simm.s32 @p1 $0x1  }
0x15: {  	[smem:$0x3FB5] =	sst s0;
	s0 =	simm.s32 @!p2 $0x0  }
0x16: {  	s3 =	sld [smem:$0x3FDB];
	s0 =	simm.s32 @p2 $0x1  }
0x17: {  	s4 =	simm.s32 $0x1BF5;
	[smem:$0x3FB7] =	sst s0  }
0x18: {  	s0 =	sld [smem:$0x3F9A];
	_ =	swait.ge [sflag:s4], $0x0  }
0x19: {  	s7 =	sld [smem:$0x3F9B]  }
0x1a: {  	s8 =	sadd.s32 $0xFFFFE003, lr  }
0x1b: {  	s9 =	sadd.s32 $0xFFFFFEF7, lr;
	s5 =	simm.s32 $0xFFFFFFFF;
	p2 =	slt.u32 s8, $0xFFFFF086  }
0x1c: {  	p1 =	slt.u32 s9, $0xF7A;
	s5 =	simm.s32 @!p2 $0x0  }
0x1d: {  	s5 =	simm.s32 @p1 $0x1;
	p0 =	seq.s32 s7, s2  }
0x1e: {  	s7 =	smul.u32 @!p0 $0xF7A, s2;
	p2 =	seq.s32 @!p0 s5, $0x0  }
0x1f: {  	s9 =	smul.u32 $0xF7A, s1;
	s8 =	simm.s32 @!p0 $0x1BF5;
	p2 =	por !p2, p0  }
0x20: {  	[sflag:s8] =	ssyncset.s32 @!p0 $0xFFFFF086;
	s6 =	sadd.s32 @!p0 s3, s7;
	s7 =	simm.s32 @!p0 $0x108  }
0x21: {  	s3 =	sadd.s32 s3, s9;
	s6 =	sadd.s32 @!p0 $0x88, s6;
	s7 =	simm.s32 @p2 $0x1082  }
0x22: {  	[simem:s7], [sflag:s8] =	dma.local @!p0 [hbm:s6], $0xF7A  }
0x23: {  	s9 =	sor.u32 $0xD0000000, s2;
	s6 =	simm.s32 $0x108;
	_ =	swait.ge @!p0 [sflag:s8], $0x0  }
0x24: {  	s3 =	sadd.s32 $0x88, s3;
	s6 =	simm.s32 @!p1 $0x1082;
	[sflag:s4] =	ssyncset.s32 $0xFFFFF086  }
0x25: {  	[simem:s6], [sflag:s4] =	dma.local [hbm:s3], $0xF7A  }
0x26: {  	[smem:$0x3F9B] =	sst s1;
	(tag) =	ssettag s2;
	_ =	strace s9  }
0x27: {  	s1 =	sld [smem:$0x3FAB]  }
0x28: {  	s2 =	sld [smem:$0x3FAC]  }
0x29: {  	s4 =	sld [smem:$0x3FAE]  }
0x2a: {  	p0 =	seq.s32 s5, $0x0;
	s5 =	sld [smem:$0x3FAF]  }
0x2b: {  	s6 =	sld [smem:$0x3FB0]  }
0x2c: {  	s7 =	sld [smem:$0x3FB1]  }
0x2d: {  	s3 =	simm.s32 $0x108;
	s8 =	sld [smem:$0x3FB2]  }
0x2e: {  	s3 =	simm.s32 @!p0 $0x1082;
	s9 =	sld [smem:$0x3FB3]  }
0x2f: {  	lr =	sadd.s32 s0, s3;
	s0 =	sld [smem:$0x3FAA]  }
0x30: {  	s3 =	sld [smem:$0x3FAD]  }
0x31: {  	[smem:$0x3FB6] =	sst s10  }
0x32: {  	s10 =	sld [smem:$0x3FB4];
	_ =	sdelay $0x3  }
0x33: {  	p0 =	seq.s32 s10, $0x1;
	s10 =	sld [smem:$0x3FB6];
	_ =	sdelay $0x3  }
0x34: {  	[smem:$0x3FB6] =	sst s10  }
0x35: {  	s10 =	sld [smem:$0x3FB5];
	_ =	sdelay $0x3  }
0x36: {  	p1 =	seq.s32 s10, $0x1;
	s10 =	sld [smem:$0x3FB6];
	_ =	sdelay $0x3  }
0x37: {  	[smem:$0x3FB6] =	sst s10  }
0x38: {  	s10 =	sld [smem:$0x3FB7]  }
0x39: {  	_ = 	snop;
	(pc) =	sbr.ind lr, $3  }
0x3a: {  	_ = 	snop  }
0x3b: {  	_ = 	snop  }
0x3c: {  	p2 =	seq.s32 s10, $0x1;
	s10 =	sld [smem:$0x3FB6]  }
0x3d: {  	_ =	shalt  }
0x3e: {  	_ =	shalt  }
0x3f: {  	_ =	shalt  }
0x40: {  	_ =	shalt  }
0x41: {  	_ =	shalt  }
0x42: {  	_ =	shalt  }
0x43: {  	_ =	shalt  }
0x44: {  	_ =	shalt  }
0x45: {  	_ =	shalt  }
0x46: {  	_ =	shalt  }
0x47: {  	_ =	shalt  }
0x48: {  	_ =	shalt  }
0x49: {  	_ =	shalt  }
0x4a: {  	_ =	shalt  }
0x4b: {  	_ =	shalt  }
0x4c: {  	_ =	shalt  }
0x4d: {  	_ =	shalt  }
0x4e: {  	_ =	shalt  }
0x4f: {  	_ =	shalt  }
0x50: {  	_ =	shalt  }
0x51: {  	_ =	shalt  }
0x52: {  	_ =	shalt  }
0x53: {  	_ =	shalt  }
0x54: {  	_ =	shalt  }
0x55: {  	_ =	shalt  }
0x56: {  	_ =	shalt  }
0x57: {  	_ =	shalt  }
0x58: {  	_ =	shalt  }
0x59: {  	_ =	shalt  }
0x5a: {  	_ =	shalt  }
0x5b: {  	_ =	shalt  }
0x5c: {  	_ =	shalt  }
0x5d: {  	_ =	shalt  }
0x5e: {  	_ =	shalt  }
0x5f: {  	_ =	shalt  }
0x60: {  	_ =	shalt  }
0x61: {  	_ =	shalt  }
0x62: {  	_ =	shalt  }
0x63: {  	_ =	shalt  }
0x64: {  	_ =	shalt  }
0x65: {  	_ =	shalt  }
0x66: {  	_ =	shalt  }
0x67: {  	_ =	shalt  }
0x68: {  	_ =	shalt  }
0x69: {  	_ =	shalt  }
0x6a: {  	_ =	shalt  }
0x6b: {  	_ =	shalt  }
0x6c: {  	_ =	shalt  }
0x6d: {  	_ =	shalt  }
0x6e: {  	_ =	shalt  }
0x6f: {  	_ =	shalt  }
0x70: {  	_ =	shalt  }
0x71: {  	_ =	shalt  }
0x72: {  	_ =	shalt  }
0x73: {  	_ =	shalt  }
0x74: {  	_ =	shalt  }
0x75: {  	_ =	shalt  }
0x76: {  	_ =	shalt  }
0x77: {  	_ =	shalt  }
0x78: {  	_ =	shalt  }
0x79: {  	_ =	shalt  }
0x7a: {  	_ =	shalt  }
0x7b: {  	_ =	shalt  }
0x7c: {  	_ =	shalt  }
0x7d: {  	_ =	shalt  }
0x7e: {  	_ =	shalt  }
0x7f: {  	_ =	shalt  }
0x80: {  	_ =	shalt  }
0x81: {  	_ =	shalt  }
0x82: {  	_ =	shalt  }
0x83: {  	_ =	shalt  }
0x84: {  	_ =	shalt  }
0x85: {  	_ =	shalt  }
0x86: {  	_ =	shalt  }
0x87: {  	_ =	shalt  }
.Lfunc_end0:
.L_simem_size_0:
called_computation_lowered:
.L_overlay_start_0:
0x88: {  	s2 =	sld [smem:$0x3FD9]  }
0x89: {  	s3 =	sld [smem:$0x3FFE];
	_ =	sdelay $0x1  }
0x8a: {  	s1 =	srdreg.scid  }
0x8b: {  	s0 =	sand.u32 $0x1, s1  }
0x8c: {  	s17 =	sshll.u32 s0, $0xA;
	s2 =	sadd.s32 s3, s2  }
0x8d: {  	s2 =	sadd.s32 s2, s17  }
0x8e: {  	[smem:$0x3FC2] =	sst s2  }
0x8f: {  	_ = 	snop  }
0x90: {  	s2 =	sld [smem:$0x3FD0];
	(tm) =	ssettm $0x1  }
0x91: {  	s18 =	sld [smem:$0x3FFB];
	_ =	sdelay $0x3  }
0x92: {  	_ =	strace s18  }
0x93: {  	s3 =	sld [smem:$0x3FFC];
	_ =	sdelay $0x3  }
0x94: {  	_ =	strace s3  }
0x95: {  	s3 =	sld [smem:$0x3FFD];
	_ =	sdelay $0x3  }
0x96: {  	_ =	strace s3  }
0x97: {  	_ =	strace $0x8FFFFFFF  }
0x98: {  	s19 =	sld [smem:$0x3FDB];
	_ =	sdelay $0x1  }
0x99: {  	s4 =	simm.s32 $_scs_section_size  }
0x9a: {  	s5 =	simm.s32 $_size__tile_overlayer_lowered;
	s6 =	simm.s32 $_tile_overlayer_lowered  }
0x9b: {  	s22 =	simm.s32 $0x1BFF;
	s21 =	sshll.u32 s6, $0x1;
	s3 =	sadd.s32 s4, s19  }
0x9c: {  	s7 =	simm.s32 $0x0;
	s20 =	sshll.u32 s5, $0x1;
	s5 =	sadd.s32 s21, s3  }
0x9d: {  	[timem:s7], [sflag:s22] =	dma.local [hbm:s5], s20  }
0x9e: {  	_ =	swait.ge [sflag:s22], s20  }
0x9f: {  	s4 =	ssub.s32 $0x0, s20;
	[sflag:s22] =	ssyncset.done $0x0  }
0xa0: {  	[sflag:s22] =	ssyncadd.s32 s4;
	_ =	sdelay $0x1  }
0xa1: {  	s23 =	simm.s32 $0x1B8B  }
0xa2: {  	_ =	swait.ge [sflag:s23], $0x1  }
0xa3: {  	[sflag:s23] =	ssyncset.done $0x0  }
0xa4: {  	s25 =	simm.s32 $0x1B8E;
	s24 =	sld [smem:$0x3FFE];
	[sflag:s23] =	ssyncadd.s32 $0xFFFFFFFF  }
0xa5: {  	s26 =	simm.s32 $execute0_lowered;
	[smem:$0x3FD2] =	sst s25  }
0xa6: {  	s5 =	sshll.u32 s26, $0x1;
	_ =	strace $0x80000046;
	[dreg:$0x1] =	wrdreg $0xFFFFFFFF  }
0xa7: {  	s28 =	simm.s32 $_size_execute0_lowered;
	s3 =	sadd.s32 s3, s5;
	[dreg:$0x0] =	wrdreg $0x0  }
0xa8: {  	s5 =	sshll.u32 s28, $0x1;
	[dreg:$0x2] =	wrdreg s3  }
0xa9: {  	[dreg:$0x3] =	wrdreg s5  }
0xaa: {  	[dreg:$0x4] =	wrdreg $0xC0  }
0xab: {  	_ =	task [dreg:s7], $0x5FFFF  }
0xac: {  	[dreg:$0x1] =	wrdreg $0xFFFFFFFF  }
0xad: {  	[dreg:$0x0] =	wrdreg $0x60  }
0xae: {  	[dreg:$0x2] =	wrdreg s24  }
0xaf: {  	[dreg:$0x3] =	wrdreg s2  }
0xb0: {  	[dreg:$0x4] =	wrdreg $0xA4000  }
0xb1: {  	[dreg:$0x5] =	wrdreg $0x9  }
0xb2: {  	_ =	task.clear_ibuf [dreg:s7], $0x6FFFF;
	_ =	strace $0x90000046  }
0xb3: {  	s29 =	simm.s32 $0x9;
	_ =	strace $0x80000048  }
0xb4: {  	_ =	swait.ge [sflag:s29], $0x1  }
0xb5: {  	[sflag:s29] =	ssyncadd.s32 $0xFFFFFFFF  }
0xb6: {  	_ =	strace $0x90000048  }
0xb7: {  	_ =	sfence  }
0xb8: {  	s30 =	sld [smem:$0x0];
	_ =	sdelay $0x2  }
0xb9: {  	s31 =	sshll.u32 s1, $0xD;
	s1 =	sshrl.u32 s1, $0x2  }
0xba: {  	s3 =	sand.u32 $0x4000, s31;
	s1 =	sadd.s32 s1, s30  }
0xbb: {  	s0 =	sor.u32 s3, s0;
	s1 =	sshll.u32 s1, $0x11  }
0xbc: {  	s0 =	sor.u32 s1, s0  }
0xbd: {  	s0 =	sadd.s32 $0x8F2B, s0  }
0xbe: {  	[sflag:s0] =	ssyncadd.remote.s32 $0x1  }
0xbf: {  	_ =	sfence.sel $0xFFFF  }
0xc0: {  	[dreg:$0x0] =	wrdreg $0xFFFFFFFF;
	(pc) =	sbr.abs _section_cstart, $3  }
0xc1: {  	[dreg:$0x1] =	wrdreg $0xFFFFFFFF  }
0xc2: {  	_ =	task.clear_ibuf [dreg:s7], $0x2FFFF;
	_ =	strace $0x9FFFFFFF  }
0xc3: {  	(tm) =	ssettm $0x7FFFFFFF  }
tec
execute0_lowered:
.L_overlay_start_1:
0x0: {  	(tag) =	ssettag $0x1  }
0x1: {  	s0 =	rddreg [dreg:$0x0]  }
0x2: {  	s1 =	rddreg [dreg:$0x1]  }
0x3: {  	s2 =	rddreg [dreg:$0x2];
	s3 =	simm.s32 $0x0  }
0x4: {  	s7 =	srdreg.scid;
	s13 =	stileid.u32;
	s29 =	simm.s32 $0x400  }
0x5: {  	s31 =	simm.s32 $0xB;
	[smem:$0x7FF] =	sst s3;
	s4 =	sadd.s32 $0x11E00, s0  }
0x6: {  	s5 =	sadd.s32 $0x9E00, s0;
	s6 =	sadd.s32 $0x1E00, s0;
	s7 =	sand.u32 $0x1, s7  }
0x7: {  	s8 =	sadd.s32 $0x39000, s0;
	s9 =	smul.u32 $0x4F000, s13;
	s14 =	sadd.s32 $0x3B800, s0  }
0x8: {  	s15 =	sadd.s32 $0x62A00, s0;
	s18 =	sshll.u32 s13, $0x6;
	s19 =	sshll.u32 s13, $0xB  }
0x9: {  	s22 =	sshll.u32 s13, $0xE;
	s10 =	smul.u32 $0x4E000, s13;
	s23 =	sadd.s32 $0x138000, s2  }
0xa: {  	p1 =	seq.s32 s13, $0xF;
	p2 =	sne.s32 s13, $0xF;
	_ =	strace $0x80000047  }
0xb: {  	[dreg:$0x5] =	wrdreg s8;
	s12 =	ssub.s32 $0x2, s7;
	s28 =	sor.u32 $0x1C11, s18  }
0xc: {  	s30 =	sadd.s32 s5, s19;
	s11 =	sadd.s32 s6, s19;
	[dreg:$0x7] =	wrdreg s15  }
0xd: {  	p0 =	seq.s32 s7, $0x0;
	[dreg:$0x6] =	wrdreg s14;
	s18 =	simm.s32 $0x80  }
0xe: {  	s26 =	sshrl.u32 s23, $0x3;
	s16 =	sshrl.u32 s12, $0x1;
	s17 =	sshrl.u32 s9, $0x2  }
0xf: {  	s9 =	sor.u32 $0x10, s19;
	s20 =	sshrl.u32 s10, $0x2;
	s1 =	smov.u32 @p0 s4  }
0x10: {  	p0 =	sne.s32 s7, $0x0;
	[dreg:$0x10] =	wrdreg s26;
	s26 =	simm.s32 $0x50  }
0x11: {  	s4 =	simm.s32 $0x2;
	s7 =	simm.s32 $0x3;
	[dreg:$0x8] =	wrdreg s28  }
0x12: {  	s19 =	simm.s32 $0xD;
	[dreg:$0x4] =	wrdreg s11;
	s0 =	ssub.s32 s12, s16  }
0x13: {  	s8 =	sadd.s32 s17, s2;
	s12 =	smul.u32 $0x2700, s13;
	s16 =	sadd.s32 s5, s9  }
0x14: {  	s9 =	sadd.s32 s6, s9;
	s17 =	simm.s32 $0x9;
	[dreg:$0x9] =	wrdreg s16  }
0x15: {  	s13 =	simm.s32 $0x280;
	[dreg:$0xa] =	wrdreg s9;
	s9 =	sadd.s32 s20, s2  }
0x16: {  	s0 =	smax.u32 s0, $0x1;
	s25 =	sshrl.u32 s8, $0x3;
	s8 =	simm.s32 $0x5  }
.Ltmp0:
0x17: {  	s16 =	simm.s32 $0x6;
	[dreg:$0xb] =	wrdreg s9;
	(pc) =	sbr.rel .LBB2_1-.Ltmp0, $4  }
0x18: {  	s20 =	simm.s32 $0x0;
	s21 =	sadd.s32 s15, s12;
	[dreg:$0xe] =	wrdreg s0  }
0x19: {  	s24 =	sadd.s32 s14, s12;
	[dreg:$0xf] =	wrdreg s25;
	s15 =	simm.s32 $0x11  }
0x1a: {  	s25 =	simm.s32 $0x200;
	s9 =	simm.s32 $0x100;
	[dreg:$0xc] =	wrdreg s21  }
0x1b: {  	s14 =	simm.s32 $0xA;
	[dreg:$0xd] =	wrdreg s24;
	s24 =	simm.s32 $0x4  }
.LBB2_6:
0x1c: {  	s0 =	sadd.s32 $0x27000, s12;
	s9 =	rddreg [dreg:$0x10]  }
0x1d: {  	[hbm:s0], [sflag:s28] =	dma.local [spmem:s9], $0x100  }
0x1e: {  	_ =	swait.ge [sflag:s15], $0x100  }
0x1f: {  	[sflag:s15] =	ssyncset.done $0x0  }
0x20: {  	s9 =	simm.s32 $0x100;
	[sflag:s15] =	ssyncadd.s32 $0xFFFFFF00  }
.LBB2_7:
0x21: {  	s20 =	sadd.s32 $0x1, s20;
	s0 =	rddreg [dreg:$0xe]  }
0x22: {  	p3 =	sne.s32 s20, s0  }
.Ltmp1:
0x23: {  	_ = 	snop;
	(pc) =	sbr.rel @!p3 .LBB2_8-.Ltmp1, $2  }
0x24: {  	_ =	sdelay $0x2  }
0x25: {  	s22 =	smov.u32 s2  }
.LBB2_1:
0x26: {  	[dreg:$0x11] =	wrdreg s20  }
0x27: {  	s0 =	rddreg [dreg:$0x5]  }
0x28: {  	s12 =	rddreg [dreg:$0xf]  }
0x29: {  	[spmem:s12], [sflag:s28] =	dma.local [hbm:s0], $0x2780  }
0x2a: {  	_ =	swait.ge [sflag:s15], $0x2780  }
0x2b: {  	[sflag:s15] =	ssyncset.done $0x0  }
0x2c: {  	[sflag:s15] =	ssyncadd.s32 $0xFFFFD880  }
0x2d: {  	[bflag:$0x0] =	sbarrier.arrive $0xFFFF  }
0x2e: {  	[tilespmem:s3], [sflag:$0x1] =	stream.linear.gather [hbm4b:s30+s3], $0x80, $0x38;
	[tilespmem:$0x1E000] =	vst v63  }
0x2f: {  	_ = 	snop  }
0x30: {  	[tilespmem:s25], [sflag:$0x5] =	stream.linear.gather [hbm4b:s11+s3], $0x80, $0x38;
	[tilespmem:$0x1E000] =	vst v63  }
0x31: {  	s20 =	rddreg [dreg:$0x9]  }
0x32: {  	[tilespmem:s18], [sflag:$0x2] =	stream.linear.gather [hbm4b:s20+s3], $0x80, $0x38;
	[tilespmem:$0x1E000] =	vst v63  }
0x33: {  	s23 =	simm.s32 $0x1;
	s21 =	rddreg [dreg:$0xa]  }
0x34: {  	[tilespmem:s13], [sflag:$0x6] =	stream.linear.gather [hbm4b:s21+s3], $0x80, $0x38;
	[tilespmem:$0x1E000] =	vst v63  }
0x35: {  	p3 =	por $0x1, $0x1;
	_ =	swait.ge [sflag:s23], $0x80  }
0x36: {  	p3 =	por p3, p3;
	[sflag:s23] =	ssyncset.done $0x0  }
0x37: {  	s12 =	simm.s32 @!p3 $0xF;
	[sflag:s23] =	ssyncadd.s32 $0xFFFFFF80  }
0x38: {  	[tilespmem:s29], [sflag:$0x9] =	stream.indirect.gather [hbm4b:s1+s26], $0x80, s3, s26, $0xb8;
	[tilespmem:$0x1E000] =	vst v63  }
0x39: {  	_ =	swait.ge @!p3 [sflag:s12], $0x2800  }
0x3a: {  	s13 =	sadd.s32 $0x0, s30;
	[sflag:s12] =	ssyncset.done @!p3 $0x0  }
0x3b: {  	s15 =	sadd.s32 $0x0, s11;
	s0 =	sadd.s32 $0x20, s13;
	[sflag:s12] =	ssyncadd.s32 @!p3 $0xFFFFD800  }
0x3c: {  	[tilespmem:s9], [sflag:$0x3] =	stream.linear.gather [hbm4b:s0+s3], $0x80, $0x38;
	[tilespmem:$0x1E000] =	vst v63  }
0x3d: {  	s10 =	simm.s32 $0x300;
	s2 =	sadd.s32 $0x20, s15  }
0x3e: {  	[tilespmem:s10], [sflag:$0x7] =	stream.linear.gather [hbm4b:s2+s3], $0x80, $0x38;
	[tilespmem:$0x1E000] =	vst v63  }
0x3f: {  	_ =	swait.ge [sflag:s4], $0x80  }
0x40: {  	[sflag:s4] =	ssyncset.done $0x0  }
0x41: {  	s28 =	simm.s32 $0x2C00;
	[sflag:s4] =	ssyncadd.s32 $0xFFFFFF80  }
0x42: {  	[tilespmem:s28], [sflag:$0xA] =	stream.indirect.gather [hbm4b:s1+s26], $0x80, s18, s26, $0xb8;
	[tilespmem:$0x1E000] =	vst v63  }
0x43: {  	_ =	swait.ge [sflag:s17], $0x2800  }
0x44: {  	[sflag:s17] =	ssyncset.done $0x0  }
0x45: {  	[sflag:s17] =	ssyncadd.s32 $0xFFFFD800  }
0x46: {  	_ =	swait.ge [sflag:s8], $0x80  }
0x47: {  	[sflag:s8] =	ssyncset.done $0x0  }
0x48: {  	[sflag:s8] =	ssyncadd.s32 $0xFFFFFF80  }
0x49: {  	s12 =	simm.s32 @!p3 $0x10;
	s8 =	rddreg [dreg:$0x2]  }
0x4a: {  	[spmem:s8] =	stream.indirect.scatter.add.f32 [tilespmem:s29], [sflag:$0xD], $0x80, s25, s26, $0xb8;
	[tilespmem:$0x1E000] =	vst v63  }
0x4b: {  	_ =	swait.ge @!p3 [sflag:s12], $0x2800  }
0x4c: {  	s21 =	simm.s32 $0x180;
	[sflag:s12] =	ssyncset.done @!p3 $0x0  }
0x4d: {  	s3 =	simm.s32 $0x0;
	s17 =	sadd.s32 $0x30, s13;
	[sflag:s12] =	ssyncadd.s32 @!p3 $0xFFFFD800  }
0x4e: {  	[tilespmem:s21], [sflag:$0x4] =	stream.linear.gather [hbm4b:s17+s3], $0x80, $0x38;
	[tilespmem:$0x1E000] =	vst v63  }
0x4f: {  	s0 =	simm.s32 $0x380;
	s18 =	sadd.s32 $0x30, s15  }
0x50: {  	[tilespmem:s0], [sflag:$0x8] =	stream.linear.gather [hbm4b:s18+s3], $0x80, $0x38;
	[tilespmem:$0x1E000] =	vst v63  }
0x51: {  	_ =	swait.ge [sflag:s7], $0x80  }
0x52: {  	[sflag:s7] =	ssyncset.done $0x0  }
0x53: {  	s4 =	simm.s32 $0x5400;
	[sflag:s7] =	ssyncadd.s32 $0xFFFFFF80  }
0x54: {  	[tilespmem:s4], [sflag:$0xB] =	stream.indirect.gather [hbm4b:s1+s26], $0x80, s9, s26, $0xb8;
	[tilespmem:$0x1E000] =	vst v63  }
0x55: {  	_ =	swait.ge [sflag:s14], $0x2800  }
0x56: {  	[sflag:s14] =	ssyncset.done $0x0  }
0x57: {  	p3 =	por $0x0, $0x0;
	[sflag:s14] =	ssyncadd.s32 $0xFFFFD800  }
0x58: {  	s2 =	simm.s32 $0x280;
	s12 =	simm.s32 @!p3 $0x200;
	_ =	swait.ge [sflag:s16], $0x80  }
0x59: {  	s25 =	smov.u32 s8;
	s13 =	sand.u32 @!p3 $0x7C00, s12;
	[sflag:s16] =	ssyncset.done $0x0  }
0x5a: {  	s12 =	sand.u32 @!p3 $0x200, s12;
	s13 =	sadd.s32 @!p3 s22, s13;
	[sflag:s16] =	ssyncadd.s32 $0xFFFFFF80  }
0x5b: {  	[spmem:s25] =	stream.indirect.scatter.add.f32 [tilespmem:s28], [sflag:$0xE], $0x80, s2, s26, $0xb8;
	[tilespmem:$0x1E000] =	vst v63  }
0x5c: {  	s12 =	sor.u32 @!p3 s12, s13;
	_ =	swait.ge [sflag:s19], $0x2800  }
0x5d: {  	s12 =	sshrl.u32 @!p3 s12, $0x3;
	[sflag:s19] =	ssyncset.done $0x0  }
0x5e: {  	s13 =	simm.s32 @!p3 $0x0;
	s15 =	sadd.s32 @!p3 s5, s12;
	[sflag:s19] =	ssyncadd.s32 $0xFFFFD800  }
0x5f: {  	[tilespmem:s13], [sflag:$0x1] =	stream.linear.gather @!p3 [hbm4b:s15+s13], $0x80, $0x38;
	[tilespmem:$0x1E000] =	vst v63  }
0x60: {  	s12 =	sadd.s32 @!p3 s6, s12;
	s15 =	simm.s32 @!p3 $0x200  }
0x61: {  	[tilespmem:s15], [sflag:$0x5] =	stream.linear.gather @!p3 [hbm4b:s12+s13], $0x80, $0x38;
	[tilespmem:$0x1E000] =	vst v63  }
0x62: {  	_ =	swait.ge [sflag:s24], $0x80  }
0x63: {  	[sflag:s24] =	ssyncset.done $0x0  }
0x64: {  	s20 =	simm.s32 $0x7C00;
	[sflag:s24] =	ssyncadd.s32 $0xFFFFFF80  }
0x65: {  	[tilespmem:s20], [sflag:$0xC] =	stream.indirect.gather [hbm4b:s1+s26], $0x80, s21, s26, $0xb8;
	[tilespmem:$0x1E000] =	vst v63  }
0x66: {  	_ =	swait.ge [sflag:s31], $0x2800  }
0x67: {  	[sflag:s31] =	ssyncset.done $0x0  }
0x68: {  	s21 =	simm.s32 $0x7;
	[sflag:s31] =	ssyncadd.s32 $0xFFFFD800  }
0x69: {  	_ =	swait.ge [sflag:s21], $0x80  }
0x6a: {  	s11 =	simm.s32 $0xE;
	s12 =	sand.u32 @!p3 $0x7C00, s2;
	[sflag:s21] =	ssyncset.done $0x0  }
0x6b: {  	s15 =	sand.u32 @!p3 $0x280, s2;
	s12 =	sadd.s32 @!p3 s22, s12;
	[sflag:s21] =	ssyncadd.s32 $0xFFFFFF80  }
0x6c: {  	[spmem:s25] =	stream.indirect.scatter.add.f32 [tilespmem:s4], [sflag:$0xF], $0x80, s10, s26, $0xb8;
	[tilespmem:$0x1E000] =	vst v63  }
0x6d: {  	p6 =	por $0x0, $0x0;
	s12 =	sor.u32 @!p3 s15, s12;
	_ =	swait.ge [sflag:s11], $0x2800  }
0x6e: {  	s23 =	simm.s32 $0xC;
	s12 =	sshrl.u32 @!p3 s12, $0x3;
	[sflag:s11] =	ssyncset.done $0x0  }
0x6f: {  	s28 =	simm.s32 @!p3 $0x80;
	s15 =	sadd.s32 @!p3 s5, s12;
	[sflag:s11] =	ssyncadd.s32 $0xFFFFD800  }
0x70: {  	[tilespmem:s28], [sflag:$0x2] =	stream.linear.gather @!p3 [hbm4b:s15+s13], $0x80, $0x38;
	[tilespmem:$0x1E000] =	vst v63  }
0x71: {  	s12 =	sadd.s32 @!p3 s6, s12;
	s15 =	simm.s32 @!p3 $0x280;
	s28 =	simm.s32 @!p3 $0x1  }
0x72: {  	[tilespmem:s15], [sflag:$0x6] =	stream.linear.gather @!p3 [hbm4b:s12+s13], $0x80, $0x38;
	[tilespmem:$0x1E000] =	vst v63  }
0x73: {  	s8 =	simm.s32 $0x5;
	s17 =	simm.s32 $0x9;
	_ =	swait.ge @!p3 [sflag:s28], $0x80  }
0x74: {  	s0 =	simm.s32 $0x8;
	s7 =	simm.s32 $0x3;
	[sflag:s28] =	ssyncset.done @!p3 $0x0  }
0x75: {  	s12 =	simm.s32 @!p3 $0x50;
	s15 =	simm.s32 @!p3 $0x400;
	[sflag:s28] =	ssyncadd.s32 @!p3 $0xFFFFFF80  }
0x76: {  	[tilespmem:s15], [sflag:$0x9] =	stream.indirect.gather @!p3 [hbm4b:s1+s12], $0x80, s13, s12, $0xb8;
	[tilespmem:$0x1E000] =	vst v63  }
0x77: {  	s14 =	simm.s32 $0xA;
	s16 =	simm.s32 $0x6;
	_ =	swait.ge [sflag:s23], $0x2800  }
0x78: {  	s19 =	simm.s32 $0xD;
	s24 =	simm.s32 $0x4;
	[sflag:s23] =	ssyncset.done $0x0  }
0x79: {  	s4 =	simm.s32 $0x2;
	s28 =	simm.s32 $0x480;
	[sflag:s23] =	ssyncadd.s32 $0xFFFFD800  }
0x7a: {  	s15 =	simm.s32 $0x40;
	p3 =	por p6, p6;
	_ =	swait.ge [sflag:s0], $0x80  }
0x7b: {  	s12 =	simm.s32 $0x80;
	s29 =	simm.s32 @!p3 $0xF;
	[sflag:s0] =	ssyncset.done $0x0  }
.LBB2_2:
0x7c: {  	[sflag:s0] =	ssyncadd.s32 $0xFFFFFF80;
	s20 =	simm.s32 $0x380;
	s31 =	simm.s32 $0x7C00  }
0x7d: {  	[spmem:s25] =	stream.indirect.scatter.add.f32 [tilespmem:s31], [sflag:$0x10], $0x80, s20, s26, $0xb8;
	[tilespmem:$0x1E000] =	vst v63  }
0x7e: {  	s18 =	smov.u32 s30;
	s30 =	sadd.s32 s15, s30;
	_ =	swait.ge @!p3 [sflag:s29], $0x2800  }
0x7f: {  	s11 =	simm.s32 $0x100;
	[sflag:s29] =	ssyncset.done @!p3 $0x0;
	s2 =	rddreg [dreg:$0x4]  }
0x80: {  	[sflag:s29] =	ssyncadd.s32 @!p3 $0xFFFFD800;
	s29 =	sadd.s32 $0x20, s30;
	s0 =	sadd.s32 s15, s2  }
0x81: {  	[tilespmem:s11], [sflag:$0x3] =	stream.linear.gather [hbm4b:s29+s3], $0x80, $0x38;
	[tilespmem:$0x1E000] =	vst v63  }
0x82: {  	s10 =	simm.s32 $0x300;
	s29 =	sadd.s32 $0x20, s0  }
0x83: {  	[tilespmem:s10], [sflag:$0x7] =	stream.linear.gather [hbm4b:s29+s3], $0x80, $0x38;
	[tilespmem:$0x1E000] =	vst v63  }
0x84: {  	_ =	swait.ge [sflag:s4], $0x80  }
0x85: {  	[sflag:s4] =	ssyncset.done $0x0  }
0x86: {  	s23 =	simm.s32 $0x2C00;
	s2 =	simm.s32 $0x80;
	[sflag:s4] =	ssyncadd.s32 $0xFFFFFF80  }
0x87: {  	[tilespmem:s23], [sflag:$0xA] =	stream.indirect.gather [hbm4b:s1+s26], $0x80, s2, s26, $0xb8;
	[tilespmem:$0x1E000] =	vst v63  }
0x88: {  	_ =	swait.ge [sflag:s17], $0x2800  }
0x89: {  	[sflag:s17] =	ssyncset.done $0x0  }
0x8a: {  	[sflag:s17] =	ssyncadd.s32 $0xFFFFD800  }
0x8b: {  	_ =	swait.ge [sflag:s8], $0x80  }
0x8c: {  	s9 =	simm.s32 $0x200;
	[sflag:s8] =	ssyncset.done $0x0  }
0x8d: {  	s29 =	simm.s32 @!p3 $0x10;
	s2 =	simm.s32 $0x400;
	[sflag:s8] =	ssyncadd.s32 $0xFFFFFF80  }
0x8e: {  	[spmem:s25] =	stream.indirect.scatter.add.f32 [tilespmem:s2], [sflag:$0xD], $0x80, s9, s26, $0xb8;
	[tilespmem:$0x1E000] =	vst v63  }
0x8f: {  	_ =	swait.ge @!p3 [sflag:s29], $0x2800  }
0x90: {  	[sflag:s29] =	ssyncset.done @!p3 $0x0  }
0x91: {  	s25 =	simm.s32 $0x180;
	[sflag:s29] =	ssyncadd.s32 @!p3 $0xFFFFD800;
	s29 =	sadd.s32 $0x30, s30  }
0x92: {  	[tilespmem:s25], [sflag:$0x4] =	stream.linear.gather [hbm4b:s29+s3], $0x80, $0x38;
	[tilespmem:$0x1E000] =	vst v63  }
0x93: {  	s0 =	sadd.s32 $0x30, s0  }
0x94: {  	[tilespmem:s20], [sflag:$0x8] =	stream.linear.gather [hbm4b:s0+s3], $0x80, $0x38;
	[tilespmem:$0x1E000] =	vst v63  }
0x95: {  	_ =	swait.ge [sflag:s7], $0x80  }
0x96: {  	[sflag:s7] =	ssyncset.done $0x0  }
0x97: {  	s20 =	simm.s32 $0x5400;
	[sflag:s7] =	ssyncadd.s32 $0xFFFFFF80  }
0x98: {  	[tilespmem:s20], [sflag:$0xB] =	stream.indirect.gather [hbm4b:s1+s26], $0x80, s11, s26, $0xb8;
	[tilespmem:$0x1E000] =	vst v63  }
0x99: {  	_ =	swait.ge [sflag:s14], $0x2800  }
0x9a: {  	p5 =	seq.s32 s12, $0x0;
	s13 =	smov.u32 s12;
	[sflag:s14] =	ssyncset.done $0x0  }
0x9b: {  	s9 =	simm.s32 $0x280;
	p3 =	por p5, p5;
	[sflag:s14] =	ssyncadd.s32 $0xFFFFD800  }
0x9c: {  	p5 =	seq.s32 s15, $0x7C0;
	s15 =	smov.u32 s13;
	_ =	swait.ge [sflag:s16], $0x80  }
0x9d: {  	s13 =	sand.u32 @!p5 $0x7C00, s28;
	s0 =	sadd.s32 @!p5 $0xFFFFFF80, s28;
	[sflag:s16] =	ssyncset.done $0x0  }
0x9e: {  	s30 =	sand.u32 @!p5 $0x280, s28;
	s29 =	sand.u32 @!p5 $0x7C00, s0;
	[sflag:s16] =	ssyncadd.s32 $0xFFFFFF80  }
0x9f: {  	s0 =	sand.u32 @!p5 $0x200, s0;
	s29 =	sadd.s32 @!p5 s22, s29;
	s11 =	rddreg [dreg:$0x2]  }
0xa0: {  	[spmem:s11] =	stream.indirect.scatter.add.f32 [tilespmem:s23], [sflag:$0xE], $0x80, s9, s26, $0xb8;
	[tilespmem:$0x1E000] =	vst v63  }
0xa1: {  	s13 =	sadd.s32 @!p5 s22, s13;
	s0 =	sor.u32 @!p5 s0, s29;
	_ =	swait.ge [sflag:s19], $0x2800  }
0xa2: {  	s13 =	sor.u32 @!p5 s30, s13;
	s0 =	sshrl.u32 @!p5 s0, $0x3;
	[sflag:s19] =	ssyncset.done $0x0  }
0xa3: {  	s29 =	simm.s32 @!p5 $0x0;
	s30 =	sadd.s32 @!p5 s5, s0;
	[sflag:s19] =	ssyncadd.s32 $0xFFFFD800  }
0xa4: {  	[tilespmem:s29], [sflag:$0x1] =	stream.linear.gather @!p5 [hbm4b:s30+s29], $0x80, $0x38;
	[tilespmem:$0x1E000] =	vst v63  }
0xa5: {  	s0 =	sadd.s32 @!p5 s6, s0;
	s30 =	simm.s32 @!p5 $0x200  }
0xa6: {  	[tilespmem:s30], [sflag:$0x5] =	stream.linear.gather @!p5 [hbm4b:s0+s29], $0x80, $0x38;
	[tilespmem:$0x1E000] =	vst v63  }
0xa7: {  	_ =	swait.ge [sflag:s24], $0x80  }
0xa8: {  	[sflag:s24] =	ssyncset.done $0x0  }
0xa9: {  	[sflag:s24] =	ssyncadd.s32 $0xFFFFFF80  }
0xaa: {  	[tilespmem:s31], [sflag:$0xC] =	stream.indirect.gather [hbm4b:s1+s26], $0x80, s25, s26, $0xb8;
	[tilespmem:$0x1E000] =	vst v63  }
0xab: {  	s31 =	simm.s32 $0xB  }
0xac: {  	s25 =	rddreg [dreg:$0x2];
	_ =	swait.ge [sflag:s31], $0x2800  }
0xad: {  	[sflag:s31] =	ssyncset.done $0x0  }
0xae: {  	[sflag:s31] =	ssyncadd.s32 $0xFFFFD800  }
0xaf: {  	_ =	swait.ge [sflag:s21], $0x80  }
0xb0: {  	[sflag:s21] =	ssyncset.done $0x0  }
0xb1: {  	[sflag:s21] =	ssyncadd.s32 $0xFFFFFF80  }
0xb2: {  	[spmem:s25] =	stream.indirect.scatter.add.f32 [tilespmem:s20], [sflag:$0xF], $0x80, s10, s26, $0xb8;
	[tilespmem:$0x1E000] =	vst v63  }
0xb3: {  	s20 =	simm.s32 $0xE  }
0xb4: {  	_ =	swait.ge [sflag:s20], $0x2800  }
0xb5: {  	s13 =	sshrl.u32 @!p5 s13, $0x3;
	[sflag:s20] =	ssyncset.done $0x0  }
0xb6: {  	s0 =	sadd.s32 @!p5 s5, s13;
	s30 =	simm.s32 @!p5 $0x80;
	[sflag:s20] =	ssyncadd.s32 $0xFFFFD800  }
0xb7: {  	[tilespmem:s30], [sflag:$0x2] =	stream.linear.gather @!p5 [hbm4b:s0+s29], $0x80, $0x38;
	[tilespmem:$0x1E000] =	vst v63  }
0xb8: {  	s13 =	sadd.s32 @!p5 s6, s13;
	s0 =	simm.s32 @!p5 $0x280;
	s30 =	simm.s32 @!p5 $0x1  }
0xb9: {  	[tilespmem:s0], [sflag:$0x6] =	stream.linear.gather @!p5 [hbm4b:s13+s29], $0x80, $0x38;
	[tilespmem:$0x1E000] =	vst v63  }
0xba: {  	s12 =	sadd.s32 $0x40, s12;
	_ =	swait.ge @!p5 [sflag:s30], $0x80  }
0xbb: {  	p4 =	sne.s32 s12, $0x800;
	s23 =	simm.s32 $0xC;
	[sflag:s30] =	ssyncset.done @!p5 $0x0  }
0xbc: {  	s0 =	simm.s32 @!p5 $0x50;
	s13 =	simm.s32 @!p5 $0x400;
	[sflag:s30] =	ssyncadd.s32 @!p5 $0xFFFFFF80  }
0xbd: {  	[tilespmem:s13], [sflag:$0x9] =	stream.indirect.gather @!p5 [hbm4b:s1+s0], $0x80, s29, s0, $0xb8;
	[tilespmem:$0x1E000] =	vst v63  }
.Ltmp2:
0xbe: {  	_ =	swait.ge [sflag:s23], $0x2800;
	(pc) =	sbr.rel @p4 .LBB2_2-.Ltmp2, $4  }
0xbf: {  	[sflag:s23] =	ssyncset.done $0x0  }
0xc0: {  	s0 =	simm.s32 $0x8;
	[sflag:s23] =	ssyncadd.s32 $0xFFFFD800  }
0xc1: {  	s3 =	simm.s32 $0x0;
	s28 =	sadd.s32 $0x200, s28;
	_ =	swait.ge [sflag:s0], $0x80  }
0xc2: {  	s30 =	smov.u32 s18;
	s29 =	simm.s32 @!p3 $0xF;
	[sflag:s0] =	ssyncset.done $0x0  }
0xc3: {  	[sflag:s0] =	ssyncadd.s32 $0xFFFFFF80;
	s23 =	simm.s32 $0x380;
	s20 =	simm.s32 $0x7C00  }
0xc4: {  	[spmem:s25] =	stream.indirect.scatter.add.f32 [tilespmem:s20], [sflag:$0x10], $0x80, s23, s26, $0xb8;
	[tilespmem:$0x1E000] =	vst v63  }
0xc5: {  	s0 =	sadd.s32 s15, s30;
	_ =	swait.ge @!p3 [sflag:s29], $0x2800  }
0xc6: {  	s9 =	simm.s32 $0x100;
	[sflag:s29] =	ssyncset.done @!p3 $0x0;
	s11 =	rddreg [dreg:$0x4]  }
0xc7: {  	s12 =	sadd.s32 $0x20, s0;
	[sflag:s29] =	ssyncadd.s32 @!p3 $0xFFFFD800;
	s13 =	sadd.s32 s15, s11  }
0xc8: {  	[tilespmem:s9], [sflag:$0x3] =	stream.linear.gather [hbm4b:s12+s3], $0x80, $0x38;
	[tilespmem:$0x1E000] =	vst v63  }
0xc9: {  	s10 =	simm.s32 $0x300;
	s2 =	sadd.s32 $0x20, s13  }
0xca: {  	[tilespmem:s10], [sflag:$0x7] =	stream.linear.gather [hbm4b:s2+s3], $0x80, $0x38;
	[tilespmem:$0x1E000] =	vst v63  }
0xcb: {  	_ =	swait.ge [sflag:s4], $0x80  }
0xcc: {  	[sflag:s4] =	ssyncset.done $0x0  }
0xcd: {  	s12 =	simm.s32 $0x80;
	s2 =	simm.s32 $0x2C00;
	[sflag:s4] =	ssyncadd.s32 $0xFFFFFF80  }
0xce: {  	[tilespmem:s2], [sflag:$0xA] =	stream.indirect.gather [hbm4b:s1+s26], $0x80, s12, s26, $0xb8;
	[tilespmem:$0x1E000] =	vst v63  }
0xcf: {  	_ =	swait.ge [sflag:s17], $0x2800  }
0xd0: {  	[sflag:s17] =	ssyncset.done $0x0  }
0xd1: {  	[sflag:s17] =	ssyncadd.s32 $0xFFFFD800  }
0xd2: {  	_ =	swait.ge [sflag:s8], $0x80  }
0xd3: {  	s12 =	simm.s32 @!p3 $0x10;
	[sflag:s8] =	ssyncset.done $0x0  }
0xd4: {  	s17 =	simm.s32 $0x200;
	[sflag:s8] =	ssyncadd.s32 $0xFFFFFF80;
	s8 =	simm.s32 $0x400  }
0xd5: {  	[spmem:s25] =	stream.indirect.scatter.add.f32 [tilespmem:s8], [sflag:$0xD], $0x80, s17, s26, $0xb8;
	[tilespmem:$0x1E000] =	vst v63  }
0xd6: {  	_ =	swait.ge @!p3 [sflag:s12], $0x2800  }
0xd7: {  	[sflag:s12] =	ssyncset.done @!p3 $0x0  }
0xd8: {  	s0 =	sadd.s32 $0x30, s0;
	s8 =	simm.s32 $0x180;
	[sflag:s12] =	ssyncadd.s32 @!p3 $0xFFFFD800  }
0xd9: {  	[tilespmem:s8], [sflag:$0x4] =	stream.linear.gather [hbm4b:s0+s3], $0x80, $0x38;
	[tilespmem:$0x1E000] =	vst v63  }
0xda: {  	s13 =	sadd.s32 $0x30, s13  }
0xdb: {  	[tilespmem:s23], [sflag:$0x8] =	stream.linear.gather [hbm4b:s13+s3], $0x80, $0x38;
	[tilespmem:$0x1E000] =	vst v63  }
0xdc: {  	_ =	swait.ge [sflag:s7], $0x80  }
0xdd: {  	[sflag:s7] =	ssyncset.done $0x0  }
0xde: {  	s4 =	simm.s32 $0x5400;
	[sflag:s7] =	ssyncadd.s32 $0xFFFFFF80  }
0xdf: {  	[tilespmem:s4], [sflag:$0xB] =	stream.indirect.gather [hbm4b:s1+s26], $0x80, s9, s26, $0xb8;
	[tilespmem:$0x1E000] =	vst v63  }
0xe0: {  	_ =	swait.ge [sflag:s14], $0x2800  }
0xe1: {  	[sflag:s14] =	ssyncset.done $0x0  }
0xe2: {  	p3 =	seq.s32 s15, $0x7C0;
	[sflag:s14] =	ssyncadd.s32 $0xFFFFD800  }
0xe3: {  	s0 =	sadd.s32 @!p3 $0xFFFFFF80, s28;
	_ =	swait.ge [sflag:s16], $0x80  }
0xe4: {  	s17 =	simm.s32 $0x280;
	s12 =	sand.u32 @!p3 $0x7C00, s0;
	[sflag:s16] =	ssyncset.done $0x0  }
0xe5: {  	s0 =	sand.u32 @!p3 $0x200, s0;
	s12 =	sadd.s32 @!p3 s22, s12;
	[sflag:s16] =	ssyncadd.s32 $0xFFFFFF80  }
0xe6: {  	[spmem:s25] =	stream.indirect.scatter.add.f32 [tilespmem:s2], [sflag:$0xE], $0x80, s17, s26, $0xb8;
	[tilespmem:$0x1E000] =	vst v63  }
0xe7: {  	s0 =	sor.u32 @!p3 s0, s12;
	_ =	swait.ge [sflag:s19], $0x2800  }
0xe8: {  	s0 =	sshrl.u32 @!p3 s0, $0x3;
	[sflag:s19] =	ssyncset.done $0x0  }
0xe9: {  	s12 =	simm.s32 @!p3 $0x0;
	s13 =	sadd.s32 @!p3 s5, s0;
	[sflag:s19] =	ssyncadd.s32 $0xFFFFD800  }
0xea: {  	[tilespmem:s12], [sflag:$0x1] =	stream.linear.gather @!p3 [hbm4b:s13+s12], $0x80, $0x38;
	[tilespmem:$0x1E000] =	vst v63  }
0xeb: {  	s0 =	sadd.s32 @!p3 s6, s0;
	s13 =	simm.s32 @!p3 $0x200  }
0xec: {  	[tilespmem:s13], [sflag:$0x5] =	stream.linear.gather @!p3 [hbm4b:s0+s12], $0x80, $0x38;
	[tilespmem:$0x1E000] =	vst v63  }
0xed: {  	_ =	swait.ge [sflag:s24], $0x80  }
0xee: {  	[sflag:s24] =	ssyncset.done $0x0  }
0xef: {  	[sflag:s24] =	ssyncadd.s32 $0xFFFFFF80  }
0xf0: {  	[tilespmem:s20], [sflag:$0xC] =	stream.indirect.gather [hbm4b:s1+s26], $0x80, s8, s26, $0xb8;
	[tilespmem:$0x1E000] =	vst v63  }
0xf1: {  	_ =	swait.ge [sflag:s31], $0x2800  }
0xf2: {  	[sflag:s31] =	ssyncset.done $0x0  }
0xf3: {  	[sflag:s31] =	ssyncadd.s32 $0xFFFFD800  }
0xf4: {  	_ =	swait.ge [sflag:s21], $0x80  }
0xf5: {  	s0 =	sand.u32 @!p3 $0x7C00, s28;
	s13 =	sand.u32 @!p3 $0x280, s28;
	[sflag:s21] =	ssyncset.done $0x0  }
0xf6: {  	s0 =	sadd.s32 @!p3 s22, s0;
	[sflag:s21] =	ssyncadd.s32 $0xFFFFFF80;
	s21 =	simm.s32 $0xE  }
0xf7: {  	[spmem:s25] =	stream.indirect.scatter.add.f32 [tilespmem:s4], [sflag:$0xF], $0x80, s10, s26, $0xb8;
	[tilespmem:$0x1E000] =	vst v63  }
0xf8: {  	s0 =	sor.u32 @!p3 s13, s0;
	_ =	swait.ge [sflag:s21], $0x2800  }
0xf9: {  	s0 =	sshrl.u32 @!p3 s0, $0x3;
	[sflag:s21] =	ssyncset.done $0x0  }
0xfa: {  	s15 =	simm.s32 @!p3 $0x80;
	s13 =	sadd.s32 @!p3 s5, s0;
	[sflag:s21] =	ssyncadd.s32 $0xFFFFD800  }
0xfb: {  	[tilespmem:s15], [sflag:$0x2] =	stream.linear.gather @!p3 [hbm4b:s13+s12], $0x80, $0x38;
	[tilespmem:$0x1E000] =	vst v63  }
0xfc: {  	s0 =	sadd.s32 @!p3 s6, s0;
	s13 =	simm.s32 @!p3 $0x280  }
0xfd: {  	[tilespmem:s13], [sflag:$0x6] =	stream.linear.gather @!p3 [hbm4b:s0+s12], $0x80, $0x38;
	[tilespmem:$0x1E000] =	vst v63  }
0xfe: {  	s0 =	simm.s32 @!p3 $0x1  }
0xff: {  	_ =	swait.ge @!p3 [sflag:s0], $0x80  }
0x100: {  	s2 =	smov.u32 s22;
	s22 =	simm.s32 $0xC;
	[sflag:s0] =	ssyncset.done @!p3 $0x0  }
0x101: {  	s13 =	simm.s32 @!p3 $0x400;
	[sflag:s0] =	ssyncadd.s32 @!p3 $0xFFFFFF80;
	s0 =	simm.s32 @!p3 $0x50  }
0x102: {  	[tilespmem:s13], [sflag:$0x9] =	stream.indirect.gather @!p3 [hbm4b:s1+s0], $0x80, s12, s0, $0xb8;
	[tilespmem:$0x1E000] =	vst v63  }
0x103: {  	_ =	swait.ge [sflag:s22], $0x2800  }
0x104: {  	[sflag:s22] =	ssyncset.done $0x0  }
0x105: {  	s18 =	simm.s32 $0x8;
	[sflag:s22] =	ssyncadd.s32 $0xFFFFD800  }
0x106: {  	_ =	swait.ge [sflag:s18], $0x80  }
0x107: {  	[sflag:s18] =	ssyncset.done $0x0  }
0x108: {  	s24 =	simm.s32 $0xF;
	[sflag:s18] =	ssyncadd.s32 $0xFFFFFF80  }
0x109: {  	[spmem:s25] =	stream.indirect.scatter.add.f32 [tilespmem:s20], [sflag:$0x10], $0x80, s23, s26, $0xb8;
	[tilespmem:$0x1E000] =	vst v63  }
0x10a: {  	_ =	swait.ge [sflag:s24], $0x2800  }
0x10b: {  	s29 =	simm.s32 $0x400;
	[sflag:s24] =	ssyncset.done $0x0  }
0x10c: {  	s7 =	simm.s32 $0x3;
	s25 =	simm.s32 $0x10;
	[sflag:s24] =	ssyncadd.s32 $0xFFFFD800  }
0x10d: {  	s9 =	simm.s32 $0x100;
	s14 =	simm.s32 $0xA;
	_ =	swait.ge [sflag:s25], $0x2800  }
.Ltmp3:
0x10e: {  	s16 =	simm.s32 $0x6;
	[sflag:s25] =	ssyncset.done $0x0;
	(pc) =	sbr.rel @p0 .LBB2_5-.Ltmp3, $4  }
0x10f: {  	s17 =	simm.s32 $0x9;
	s19 =	simm.s32 $0xD;
	[sflag:s25] =	ssyncadd.s32 $0xFFFFD800  }
0x110: {  	s8 =	simm.s32 $0x5;
	s4 =	simm.s32 $0x2;
	[bflag:$0x0] =	sbarrier.arrive $0xFFFF  }
0x111: {  	s13 =	simm.s32 $0x280;
	s18 =	simm.s32 $0x80;
	s28 =	rddreg [dreg:$0xb]  }
0x112: {  	s24 =	simm.s32 $0x4;
	s25 =	simm.s32 $0x200;
	s12 =	sshrl.u32 s28, $0x3  }
0x113: {  	s28 =	rddreg [dreg:$0x8]  }
0x114: {  	s0 =	rddreg [dreg:$0xd]  }
0x115: {  	[hbm:s0], [sflag:s28] =	dma.local [spmem:s12], $0x2700  }
.Ltmp4:
0x116: {  	_ = 	snop;
	(pc) =	sbr.rel @p1 .LBB2_6-.Ltmp4, $4  }
.Ltmp5:
0x117: {  	s15 =	simm.s32 $0x11;
	(pc) =	sbr.rel @!p1 .LBB2_7-.Ltmp5, $4  }
0x118: {  	_ =	swait.ge [sflag:s15], $0x2700  }
0x119: {  	[sflag:s15] =	ssyncset.done $0x0;
	s12 =	rddreg [dreg:$0x6]  }
0x11a: {  	s20 =	rddreg [dreg:$0x11];
	[sflag:s15] =	ssyncadd.s32 $0xFFFFD900  }
0x11b: {  	_ = 	snop  }
.LBB2_5:
0x11c: {  	s28 =	rddreg [dreg:$0x8]  }
0x11d: {  	s0 =	rddreg [dreg:$0xc]  }
0x11e: {  	[hbm:s0], [sflag:s28] =	dma.local [spmem:s12], $0x2700  }
.Ltmp6:
0x11f: {  	_ = 	snop;
	(pc) =	sbr.rel @p2 .LBB2_7-.Ltmp6, $4  }
.Ltmp7:
0x120: {  	s15 =	simm.s32 $0x11;
	(pc) =	sbr.rel @!p2 .LBB2_6-.Ltmp7, $4  }
0x121: {  	_ =	swait.ge [sflag:s15], $0x2700  }
0x122: {  	[sflag:s15] =	ssyncset.done $0x0;
	s12 =	rddreg [dreg:$0x7]  }
0x123: {  	s20 =	rddreg [dreg:$0x11];
	[sflag:s15] =	ssyncadd.s32 $0xFFFFD900  }
0x124: {  	_ = 	snop  }
.LBB2_8:
0x125: {  	_ =	sfence.sel $0x180000  }
0x126: {  	[bflag:$0x0] =	sbarrier.arrive $0xFFFF  }
0x127: {  	_ =	strace $0x90000047  }
0x128: {  	s0 =	stileid.u32;
	[bflag:$0x2] =	sbarrier.arrive $0xFFFF  }
0x129: {  	p0 =	sne.s32 s0, $0x0;
	s0 =	rddreg [dreg:$0x3]  }
0x12a: {  	s0 =	sadd.s32 @!p0 $0x100000, s0  }
0x12b: {  	[sflag:s0] =	ssyncadd.tile.s32 @!p0 $0x1;
	_ =	shalt  }
.Lfunc_end2:
_tile_overlayer_lowered:
.L_overlay_start_2:
0x12c: {  	(tag) =	ssettag $0x2  }
0x12d: {  	s0 =	rddreg [dreg:$0x0];
	s2 =	stileid.u32  }
0x12e: {  	s1 =	rddreg [dreg:$0x1];
	p0 =	sne.s32 s2, $0x0  }
0x12f: {  	s3 =	rddreg [dreg:$0x2];
	[bflag:$0x3] =	sbarrier.arrive $0xFFFF;
	s2 =	simm.s32 @!p0 $0x1C11  }
0x130: {  	[timem:s3], [sflag:s2] =	dma.local @!p0 [hbm:s0], s1  }
0x131: {  	s0 =	simm.s32 @!p0 $0x11  }
0x132: {  	_ =	swait.ge @!p0 [sflag:s0], s1  }
0x133: {  	s1 =	ssub.s32 @!p0 $0x0, s1;
	[sflag:s0] =	ssyncset.done @!p0 $0x0  }
0x134: {  	[sflag:s0] =	ssyncadd.s32 @!p0 s1  }
0x135: {  	[bflag:$0x3] =	sbarrier.arrive $0xFFFF  }
0x136: {  	_ =	shalt  }

// kernel: sage_sc_deg.3.cloned.1.call-start
scs
__scs_entry_jumppad:
0x0: {  	(pc) =	sbr.rel $0x88, $3  }
0x1: {  	(tag) =	ssettag $0x0;
	lr =	simm.s32 $0x1  }
0x2: {  	[smem:$0x3F9B] =	sst lr;
	_ =	strace $0xD0000000  }
0x3: {  	_ = 	snop  }
0x4: {  	_ = 	snop  }
0x5: {  	_ = 	snop  }
0x6: {  	_ = 	snop  }
0x7: {  	_ = 	snop  }
__scs_overlays_trampoline_lowered:
0x8: {  	[smem:$0x3FAA] =	sst s0  }
0x9: {  	[smem:$0x3FAB] =	sst s1  }
0xa: {  	[smem:$0x3FAC] =	sst s2  }
0xb: {  	[smem:$0x3FAD] =	sst s3  }
0xc: {  	[smem:$0x3FAE] =	sst s4  }
0xd: {  	[smem:$0x3FAF] =	sst s5  }
0xe: {  	[smem:$0x3FB0] =	sst s6  }
0xf: {  	[smem:$0x3FB1] =	sst s7  }
0x10: {  	[smem:$0x3FB2] =	sst s8  }
0x11: {  	[smem:$0x3FB3] =	sst s9;
	s0 =	simm.s32 @!p0 $0x0  }
0x12: {  	s1 =	sld [smem:$0x3F99];
	s0 =	simm.s32 @p0 $0x1  }
0x13: {  	[smem:$0x3FB4] =	sst s0;
	s0 =	simm.s32 @!p1 $0x0  }
0x14: {  	s2 =	sld [smem:$0x3F98];
	s0 =	simm.s32 @p1 $0x1  }
0x15: {  	[smem:$0x3FB5] =	sst s0;
	s0 =	simm.s32 @!p2 $0x0  }
0x16: {  	s3 =	sld [smem:$0x3FDB];
	s0 =	simm.s32 @p2 $0x1  }
0x17: {  	s4 =	simm.s32 $0x1BF5;
	[smem:$0x3FB7] =	sst s0  }
0x18: {  	s0 =	sld [smem:$0x3F9A];
	_ =	swait.ge [sflag:s4], $0x0  }
0x19: {  	s7 =	sld [smem:$0x3F9B]  }
0x1a: {  	s8 =	sadd.s32 $0xFFFFE003, lr  }
0x1b: {  	s9 =	sadd.s32 $0xFFFFFEF7, lr;
	s5 =	simm.s32 $0xFFFFFFFF;
	p2 =	slt.u32 s8, $0xFFFFF086  }
0x1c: {  	p1 =	slt.u32 s9, $0xF7A;
	s5 =	simm.s32 @!p2 $0x0  }
0x1d: {  	s5 =	simm.s32 @p1 $0x1;
	p0 =	seq.s32 s7, s2  }
0x1e: {  	s7 =	smul.u32 @!p0 $0xF7A, s2;
	p2 =	seq.s32 @!p0 s5, $0x0  }
0x1f: {  	s9 =	smul.u32 $0xF7A, s1;
	s8 =	simm.s32 @!p0 $0x1BF5;
	p2 =	por !p2, p0  }
0x20: {  	[sflag:s8] =	ssyncset.s32 @!p0 $0xFFFFF086;
	s6 =	sadd.s32 @!p0 s3, s7;
	s7 =	simm.s32 @!p0 $0x108  }
0x21: {  	s3 =	sadd.s32 s3, s9;
	s6 =	sadd.s32 @!p0 $0x88, s6;
	s7 =	simm.s32 @p2 $0x1082  }
0x22: {  	[simem:s7], [sflag:s8] =	dma.local @!p0 [hbm:s6], $0xF7A  }
0x23: {  	s9 =	sor.u32 $0xD0000000, s2;
	s6 =	simm.s32 $0x108;
	_ =	swait.ge @!p0 [sflag:s8], $0x0  }
0x24: {  	s3 =	sadd.s32 $0x88, s3;
	s6 =	simm.s32 @!p1 $0x1082;
	[sflag:s4] =	ssyncset.s32 $0xFFFFF086  }
0x25: {  	[simem:s6], [sflag:s4] =	dma.local [hbm:s3], $0xF7A  }
0x26: {  	[smem:$0x3F9B] =	sst s1;
	(tag) =	ssettag s2;
	_ =	strace s9  }
0x27: {  	s1 =	sld [smem:$0x3FAB]  }
0x28: {  	s2 =	sld [smem:$0x3FAC]  }
0x29: {  	s4 =	sld [smem:$0x3FAE]  }
0x2a: {  	p0 =	seq.s32 s5, $0x0;
	s5 =	sld [smem:$0x3FAF]  }
0x2b: {  	s6 =	sld [smem:$0x3FB0]  }
0x2c: {  	s7 =	sld [smem:$0x3FB1]  }
0x2d: {  	s3 =	simm.s32 $0x108;
	s8 =	sld [smem:$0x3FB2]  }
0x2e: {  	s3 =	simm.s32 @!p0 $0x1082;
	s9 =	sld [smem:$0x3FB3]  }
0x2f: {  	lr =	sadd.s32 s0, s3;
	s0 =	sld [smem:$0x3FAA]  }
0x30: {  	s3 =	sld [smem:$0x3FAD]  }
0x31: {  	[smem:$0x3FB6] =	sst s10  }
0x32: {  	s10 =	sld [smem:$0x3FB4];
	_ =	sdelay $0x3  }
0x33: {  	p0 =	seq.s32 s10, $0x1;
	s10 =	sld [smem:$0x3FB6];
	_ =	sdelay $0x3  }
0x34: {  	[smem:$0x3FB6] =	sst s10  }
0x35: {  	s10 =	sld [smem:$0x3FB5];
	_ =	sdelay $0x3  }
0x36: {  	p1 =	seq.s32 s10, $0x1;
	s10 =	sld [smem:$0x3FB6];
	_ =	sdelay $0x3  }
0x37: {  	[smem:$0x3FB6] =	sst s10  }
0x38: {  	s10 =	sld [smem:$0x3FB7]  }
0x39: {  	_ = 	snop;
	(pc) =	sbr.ind lr, $3  }
0x3a: {  	_ = 	snop  }
0x3b: {  	_ = 	snop  }
0x3c: {  	p2 =	seq.s32 s10, $0x1;
	s10 =	sld [smem:$0x3FB6]  }
0x3d: {  	_ =	shalt  }
0x3e: {  	_ =	shalt  }
0x3f: {  	_ =	shalt  }
0x40: {  	_ =	shalt  }
0x41: {  	_ =	shalt  }
0x42: {  	_ =	shalt  }
0x43: {  	_ =	shalt  }
0x44: {  	_ =	shalt  }
0x45: {  	_ =	shalt  }
0x46: {  	_ =	shalt  }
0x47: {  	_ =	shalt  }
0x48: {  	_ =	shalt  }
0x49: {  	_ =	shalt  }
0x4a: {  	_ =	shalt  }
0x4b: {  	_ =	shalt  }
0x4c: {  	_ =	shalt  }
0x4d: {  	_ =	shalt  }
0x4e: {  	_ =	shalt  }
0x4f: {  	_ =	shalt  }
0x50: {  	_ =	shalt  }
0x51: {  	_ =	shalt  }
0x52: {  	_ =	shalt  }
0x53: {  	_ =	shalt  }
0x54: {  	_ =	shalt  }
0x55: {  	_ =	shalt  }
0x56: {  	_ =	shalt  }
0x57: {  	_ =	shalt  }
0x58: {  	_ =	shalt  }
0x59: {  	_ =	shalt  }
0x5a: {  	_ =	shalt  }
0x5b: {  	_ =	shalt  }
0x5c: {  	_ =	shalt  }
0x5d: {  	_ =	shalt  }
0x5e: {  	_ =	shalt  }
0x5f: {  	_ =	shalt  }
0x60: {  	_ =	shalt  }
0x61: {  	_ =	shalt  }
0x62: {  	_ =	shalt  }
0x63: {  	_ =	shalt  }
0x64: {  	_ =	shalt  }
0x65: {  	_ =	shalt  }
0x66: {  	_ =	shalt  }
0x67: {  	_ =	shalt  }
0x68: {  	_ =	shalt  }
0x69: {  	_ =	shalt  }
0x6a: {  	_ =	shalt  }
0x6b: {  	_ =	shalt  }
0x6c: {  	_ =	shalt  }
0x6d: {  	_ =	shalt  }
0x6e: {  	_ =	shalt  }
0x6f: {  	_ =	shalt  }
0x70: {  	_ =	shalt  }
0x71: {  	_ =	shalt  }
0x72: {  	_ =	shalt  }
0x73: {  	_ =	shalt  }
0x74: {  	_ =	shalt  }
0x75: {  	_ =	shalt  }
0x76: {  	_ =	shalt  }
0x77: {  	_ =	shalt  }
0x78: {  	_ =	shalt  }
0x79: {  	_ =	shalt  }
0x7a: {  	_ =	shalt  }
0x7b: {  	_ =	shalt  }
0x7c: {  	_ =	shalt  }
0x7d: {  	_ =	shalt  }
0x7e: {  	_ =	shalt  }
0x7f: {  	_ =	shalt  }
0x80: {  	_ =	shalt  }
0x81: {  	_ =	shalt  }
0x82: {  	_ =	shalt  }
0x83: {  	_ =	shalt  }
0x84: {  	_ =	shalt  }
0x85: {  	_ =	shalt  }
0x86: {  	_ =	shalt  }
0x87: {  	_ =	shalt  }
.Lfunc_end0:
.L_simem_size_0:
called_computation.1_lowered:
.L_overlay_start_0:
0x88: {  	s2 =	sld [smem:$0x3FD9]  }
0x89: {  	s3 =	sld [smem:$0x3FFE];
	_ =	sdelay $0x1  }
0x8a: {  	s1 =	srdreg.scid  }
0x8b: {  	s0 =	sand.u32 $0x1, s1  }
0x8c: {  	s17 =	sshll.u32 s0, $0xA;
	s2 =	sadd.s32 s3, s2  }
0x8d: {  	s2 =	sadd.s32 s2, s17  }
0x8e: {  	[smem:$0x3FC2] =	sst s2  }
0x8f: {  	_ = 	snop  }
0x90: {  	(tm) =	ssettm $0x1  }
0x91: {  	s18 =	sld [smem:$0x3FFB];
	_ =	sdelay $0x3  }
0x92: {  	_ =	strace s18  }
0x93: {  	s2 =	sld [smem:$0x3FFC];
	_ =	sdelay $0x3  }
0x94: {  	_ =	strace s2  }
0x95: {  	s2 =	sld [smem:$0x3FFD];
	_ =	sdelay $0x3  }
0x96: {  	_ =	strace s2  }
0x97: {  	_ =	strace $0x8FFFFFFF  }
0x98: {  	s19 =	sld [smem:$0x3FDB];
	_ =	sdelay $0x1  }
0x99: {  	s20 =	simm.s32 $_scs_section_size  }
0x9a: {  	s4 =	simm.s32 $_size__tile_overlayer_lowered;
	s5 =	simm.s32 $_tile_overlayer_lowered  }
0x9b: {  	s6 =	simm.s32 $0x1BFF;
	s21 =	sshll.u32 s5, $0x1;
	s3 =	sadd.s32 s20, s19  }
0x9c: {  	s22 =	simm.s32 $0x0;
	s4 =	sshll.u32 s4, $0x1;
	s5 =	sadd.s32 s21, s3  }
0x9d: {  	[timem:s22], [sflag:s6] =	dma.local [hbm:s5], s4  }
0x9e: {  	_ =	swait.ge [sflag:s6], s4  }
0x9f: {  	s4 =	ssub.s32 $0x0, s4;
	[sflag:s6] =	ssyncset.done $0x0  }
0xa0: {  	[sflag:s6] =	ssyncadd.s32 s4;
	_ =	sdelay $0x1  }
0xa1: {  	s23 =	simm.s32 $0x1B8B  }
0xa2: {  	_ =	swait.ge [sflag:s23], $0x1  }
0xa3: {  	[sflag:s23] =	ssyncset.done $0x0  }
0xa4: {  	[sflag:s23] =	ssyncadd.s32 $0xFFFFFFFF  }
0xa5: {  	s4 =	sld [smem:$0x0]  }
0xa6: {  	s5 =	sand.u32 $0xFFFFFFFE, s1  }
0xa7: {  	p0 =	sne.s32 s1, s5  }
0xa8: {  	s5 =	sshll.u32 @p0 s5, $0xE  }
0xa9: {  	s5 =	sadd.s32 @p0 $0x11B8D, s5;
	s6 =	sshll.u32 @p0 s4, $0x11  }
0xaa: {  	s5 =	sor.u32 @p0 s6, s5  }
0xab: {  	[sflag:s5] =	ssyncadd.remote.s32 @p0 $0x1;
	_ =	sdelay $0x1  }
0xac: {  	s5 =	simm.s32 @p0 $0x1B8D  }
0xad: {  	_ =	swait.eq @p0 [sflag:s5], $0x1  }
0xae: {  	[sflag:s5] =	ssyncadd.s32 @p0 $0xFFFFFFFF  }
0xaf: {  	s6 =	sshll.u32 @!p0 s1, $0xE  }
0xb0: {  	s6 =	sor.u32 @!p0 $0x4000, s6;
	s5 =	simm.s32 @!p0 $0x1B8D  }
0xb1: {  	s4 =	sshll.u32 @!p0 s4, $0x11;
	s6 =	sadd.s32 @!p0 $0x11B8D, s6;
	_ =	swait.eq @!p0 [sflag:s5], $0x1  }
0xb2: {  	s4 =	sor.u32 @!p0 s4, s6;
	[sflag:s5] =	ssyncadd.s32 @!p0 $0xFFFFFFFF  }
0xb3: {  	s25 =	simm.s32 $0x1B8E;
	s24 =	sld [smem:$0x3FFE];
	[sflag:s4] =	ssyncadd.remote.s32 @!p0 $0x1  }
0xb4: {  	s26 =	simm.s32 $execute0_lowered;
	[smem:$0x3FD2] =	sst s25  }
0xb5: {  	s5 =	sshll.u32 s26, $0x1;
	_ =	strace $0x80000049;
	[dreg:$0x1] =	wrdreg $0xFFFFFFFF  }
0xb6: {  	s28 =	simm.s32 $_size_execute0_lowered;
	s3 =	sadd.s32 s3, s5;
	[dreg:$0x0] =	wrdreg $0x0  }
0xb7: {  	s5 =	sshll.u32 s28, $0x1;
	[dreg:$0x2] =	wrdreg s3  }
0xb8: {  	[dreg:$0x3] =	wrdreg s5  }
0xb9: {  	[dreg:$0x4] =	wrdreg $0xC0  }
0xba: {  	_ =	task [dreg:s22], $0x5FFFF  }
0xbb: {  	[dreg:$0x1] =	wrdreg $0xFFFFFFFF  }
0xbc: {  	[dreg:$0x0] =	wrdreg $0x60  }
0xbd: {  	[dreg:$0x2] =	wrdreg s24  }
0xbe: {  	[dreg:$0x3] =	wrdreg $0x68000  }
0xbf: {  	[dreg:$0x4] =	wrdreg $0xA  }
0xc0: {  	_ =	task.clear_ibuf [dreg:s22], $0x5FFFF;
	_ =	strace $0x90000049  }
0xc1: {  	s29 =	simm.s32 $0xA;
	_ =	strace $0x8000004B  }
0xc2: {  	_ =	swait.ge [sflag:s29], $0x1  }
0xc3: {  	[sflag:s29] =	ssyncadd.s32 $0xFFFFFFFF  }
0xc4: {  	_ =	strace $0x9000004B  }
0xc5: {  	_ =	sfence  }
0xc6: {  	s30 =	sld [smem:$0x0];
	_ =	sdelay $0x2  }
0xc7: {  	s31 =	sshll.u32 s1, $0xD;
	s1 =	sshrl.u32 s1, $0x2  }
0xc8: {  	s4 =	sand.u32 $0x4000, s31;
	s1 =	sadd.s32 s1, s30  }
0xc9: {  	s0 =	sor.u32 s4, s0;
	s1 =	sshll.u32 s1, $0x11  }
0xca: {  	s0 =	sor.u32 s1, s0  }
0xcb: {  	s0 =	sadd.s32 $0x8F2B, s0  }
0xcc: {  	[sflag:s0] =	ssyncadd.remote.s32 $0x1  }
0xcd: {  	_ =	sfence.sel $0xFFFF  }
0xce: {  	[dreg:$0x0] =	wrdreg $0xFFFFFFFF;
	(pc) =	sbr.abs _section_cstart, $3  }
0xcf: {  	[dreg:$0x1] =	wrdreg $0xFFFFFFFF  }
0xd0: {  	_ =	task.clear_ibuf [dreg:s22], $0x2FFFF;
	_ =	strace $0x9FFFFFFF  }
0xd1: {  	(tm) =	ssettm $0x7FFFFFFF  }
tec
execute0_lowered:
.L_overlay_start_1:
0x0: {  	(tag) =	ssettag $0x1  }
0x1: {  	s7 =	rddreg [dreg:$0x0]  }
0x2: {  	s2 =	rddreg [dreg:$0x1]  }
0x3: {  	s0 =	rddreg [dreg:$0x2];
	s3 =	simm.s32 $0x0;
	s1 =	stileid.u32  }
0x4: {  	s6 =	srdreg.scid;
	s14 =	simm.s32 $0x4000;
	s17 =	simm.s32 $0x50  }
0x5: {  	[smem:$0x7FF] =	sst s3;
	s4 =	sshll.u32 s1, $0xB;
	s10 =	smul.u32 $0x4F000, s1  }
0x6: {  	s5 =	sadd.s32 $0x89C00, s7;
	s18 =	sand.u32 $0x1, s6;
	s12 =	smul.u32 $0x4E000, s1  }
0x7: {  	s6 =	sadd.s32 $0x8A200, s7;
	s30 =	smul.u32 $0x2700, s1;
	s20 =	sadd.s32 $0x138000, s2  }
0x8: {  	s15 =	sshll.u32 s1, $0x6;
	p1 =	seq.s32 s1, $0xF;
	p2 =	sne.s32 s1, $0xF  }
0x9: {  	_ =	strace $0x8000004A;
	s8 =	sadd.s32 s4, s7;
	s4 =	sadd.s32 $0x39000, s7  }
0xa: {  	s9 =	ssub.s32 $0x2, s18;
	s7 =	sadd.s32 $0xB1400, s7;
	s15 =	sor.u32 $0x1C01, s15  }
0xb: {  	p0 =	sne.s32 s18, $0x0;
	s11 =	sshrl.u32 s9, $0x1;
	s29 =	sshrl.u32 s10, $0x2  }
.Ltmp0:
0xc: {  	s8 =	sadd.s32 $0x1E00, s8;
	s31 =	sshrl.u32 s12, $0x2;
	(pc) =	sbr.rel .LBB2_1-.Ltmp0, $4  }
0xd: {  	s10 =	sadd.s32 s7, s30;
	s13 =	ssub.s32 s9, s11;
	s16 =	sadd.s32 s29, s2  }
0xe: {  	s9 =	sshll.u32 s18, $0xD;
	s19 =	sadd.s32 s31, s2;
	s11 =	sadd.s32 s6, s30  }
0xf: {  	s12 =	smax.u32 s13, $0x1;
	s13 =	simm.s32 $0x1;
	s16 =	sshrl.u32 s16, $0x3  }
0x10: {  	s18 =	sshrl.u32 s19, $0x3;
	s19 =	sshrl.u32 s20, $0x3;
	s20 =	simm.s32 $0x0  }
.LBB2_6:
0x11: {  	s21 =	sadd.s32 $0x27000, s21  }
0x12: {  	[hbm:s21], [sflag:s15] =	dma.local [spmem:s19], $0x100  }
0x13: {  	_ =	swait.ge [sflag:s13], $0x100  }
0x14: {  	[sflag:s13] =	ssyncset.done $0x0  }
0x15: {  	[sflag:s13] =	ssyncadd.s32 $0xFFFFFF00  }
.LBB2_7:
0x16: {  	s20 =	sadd.s32 $0x1, s20  }
0x17: {  	p3 =	sne.s32 s20, s12  }
.Ltmp1:
0x18: {  	_ = 	snop;
	(pc) =	sbr.rel @!p3 .LBB2_8-.Ltmp1, $1  }
0x19: {  	_ =	sdelay $0x3  }
.LBB2_1:
0x1a: {  	[tilespmem:s3], [sflag:$0x1] =	stream.linear.gather [hbm4b:s8+s3], $0x4000, $0x38;
	[tilespmem:$0x1A400] =	vst v63  }
0x1b: {  	_ =	swait.ge [sflag:s13], $0x4000  }
0x1c: {  	[sflag:s13] =	ssyncset.done $0x0  }
0x1d: {  	[sflag:s13] =	ssyncadd.s32 $0xFFFFC000  }
0x1e: {  	[tilespmem:s14], [sflag:$0x1] =	stream.linear.gather [hbm4b:s5+s3], $0x2800, $0x38;
	[tilespmem:$0x1A400] =	vst v63  }
0x1f: {  	_ =	swait.ge [sflag:s13], $0x2800  }
0x20: {  	[sflag:s13] =	ssyncset.done $0x0  }
0x21: {  	[sflag:s13] =	ssyncadd.s32 $0xFFFFD800  }
0x22: {  	[spmem:s16], [sflag:s15] =	dma.local [hbm:s4], $0x2780  }
0x23: {  	_ =	swait.ge [sflag:s13], $0x2780  }
0x24: {  	[sflag:s13] =	ssyncset.done $0x0  }
0x25: {  	[sflag:s13] =	ssyncadd.s32 $0xFFFFD880  }
0x26: {  	s21 =	sadd.s32 $0x0, s9;
	[bflag:$0x0] =	sbarrier.arrive $0xFFFF  }
0x27: {  	[spmem:s2] =	stream.indirect.scatter.add.f32 [tilespmem:s14], [sflag:$0x1], $0x80, s21, s17, $0xb8;
	[tilespmem:$0x1A400] =	vst v63  }
0x28: {  	s21 =	simm.s32 $0x200;
	_ =	swait.ge [sflag:s13], $0x2800  }
.LBB2_2:
0x29: {  	s22 =	sshra.s32 s21, $0x2;
	[sflag:s13] =	ssyncset.done $0x0;
	p3 =	sne.s32 s21, $0x7E00  }
.Ltmp2:
0x2a: {  	s22 =	sadd.s32 s22, s9;
	[sflag:s13] =	ssyncadd.s32 $0xFFFFD800;
	(pc) =	sbr.rel @p3 .LBB2_2-.Ltmp2, $3  }
0x2b: {  	[spmem:s2] =	stream.indirect.scatter.add.f32 [tilespmem:s14], [sflag:$0x1], $0x80, s22, s17, $0xb8;
	[tilespmem:$0x1A400] =	vst v63  }
0x2c: {  	s21 =	sadd.s32 $0x200, s21;
	_ =	sdelay $0x1  }
0x2d: {  	_ =	swait.ge [sflag:s13], $0x2800  }
.Ltmp3:
0x2e: {  	(pc) =	sbr.rel @p0 .LBB2_5-.Ltmp3, $3  }
0x2f: {  	[sflag:s13] =	ssyncset.done $0x0  }
0x30: {  	[sflag:s13] =	ssyncadd.s32 $0xFFFFD800  }
0x31: {  	[bflag:$0x0] =	sbarrier.arrive $0xFFFF;
	_ =	sdelay $0x1  }
0x32: {  	[hbm:s11], [sflag:s15] =	dma.local [spmem:s18], $0x2700  }
.Ltmp4:
0x33: {  	_ = 	snop;
	(pc) =	sbr.rel @p1 .LBB2_6-.Ltmp4, $4  }
.Ltmp5:
0x34: {  	_ = 	snop;
	(pc) =	sbr.rel @!p1 .LBB2_7-.Ltmp5, $4  }
0x35: {  	_ =	swait.ge [sflag:s13], $0x2700  }
0x36: {  	[sflag:s13] =	ssyncset.done $0x0  }
0x37: {  	s21 =	smov.u32 s6;
	[sflag:s13] =	ssyncadd.s32 $0xFFFFD900  }
0x38: {  	_ = 	snop  }
.LBB2_5:
0x39: {  	[hbm:s10], [sflag:s15] =	dma.local [spmem:s18], $0x2700  }
.Ltmp6:
0x3a: {  	_ = 	snop;
	(pc) =	sbr.rel @p2 .LBB2_7-.Ltmp6, $4  }
.Ltmp7:
0x3b: {  	_ = 	snop;
	(pc) =	sbr.rel @!p2 .LBB2_6-.Ltmp7, $4  }
0x3c: {  	_ =	swait.ge [sflag:s13], $0x2700  }
0x3d: {  	[sflag:s13] =	ssyncset.done $0x0  }
0x3e: {  	s21 =	smov.u32 s7;
	[sflag:s13] =	ssyncadd.s32 $0xFFFFD900  }
0x3f: {  	_ = 	snop  }
.LBB2_8:
0x40: {  	_ =	sfence.sel $0x180000  }
0x41: {  	[bflag:$0x0] =	sbarrier.arrive $0xFFFF  }
0x42: {  	p0 =	sne.s32 s1, $0x0;
	_ =	strace $0x9000004A  }
0x43: {  	s0 =	sadd.s32 @!p0 $0x100000, s0;
	[bflag:$0x2] =	sbarrier.arrive $0xFFFF  }
0x44: {  	[sflag:s0] =	ssyncadd.tile.s32 @!p0 $0x1;
	_ =	shalt  }
.Lfunc_end2:
_tile_overlayer_lowered:
.L_overlay_start_2:
0x45: {  	(tag) =	ssettag $0x2  }
0x46: {  	s0 =	rddreg [dreg:$0x0];
	s2 =	stileid.u32  }
0x47: {  	s1 =	rddreg [dreg:$0x1];
	p0 =	sne.s32 s2, $0x0  }
0x48: {  	s3 =	rddreg [dreg:$0x2];
	[bflag:$0x3] =	sbarrier.arrive $0xFFFF;
	s2 =	simm.s32 @!p0 $0x1C01  }
0x49: {  	[timem:s3], [sflag:s2] =	dma.local @!p0 [hbm:s0], s1  }
0x4a: {  	s0 =	simm.s32 @!p0 $0x1  }
0x4b: {  	_ =	swait.ge @!p0 [sflag:s0], s1  }
0x4c: {  	s1 =	ssub.s32 @!p0 $0x0, s1;
	[sflag:s0] =	ssyncset.done @!p0 $0x0  }
0x4d: {  	[sflag:s0] =	ssyncadd.s32 @!p0 s1  }
0x4e: {  	[bflag:$0x3] =	sbarrier.arrive $0xFFFF  }
0x4f: {  	_ =	shalt  }

</sc_bundles>
